<compile_context>
chip_gen: v7x
topology: tpu7x:2x2x1
jax: 0.10.2.dev20260603
libtpu: 0.0.44.dev20260713+nightly
codegen_flags: <defaults>
</compile_context>

<pallas_src>
import functools

import jax
import jax.numpy as jnp
from jax import lax
from jax.experimental import pallas as pl
from jax.experimental.pallas import tpu as pltpu
from jax.experimental.pallas import tpu_sc as plsc

N = 10000
E = 320000
D_IN = 128
D_H1 = 100
D_H2 = 200
D_OUT = 128

NC, NS = 2, 16
NW = NC * NS
NP = 10240
DP = 128
CHUNK = 128
EPT = 10240
NCHUNK = EPT // CHUNK
E_PAD = EPT * NW
STRIPE = NP // NS


@functools.lru_cache(maxsize=None)
def _sc_mesh():
    return plsc.VectorSubcoreMesh(
        core_axis_name="c", subcore_axis_name="s",
        num_cores=NC, num_subcores=NS)



_DEG_UN = 8


def _deg_body(dst_hbm, zeros_hbm, out_hbm, dst_all, ones_buf, cnt_sh, sem):
    cid = lax.axis_index("c")
    sid = lax.axis_index("s")
    tb = cid * NS + sid

    def fill_ones(i, _):
        ones_buf[i] = jnp.full((16,), 1.0, jnp.float32)
        return 0
    lax.fori_loop(0, CHUNK, fill_ones, 0)

    pltpu.sync_copy(dst_hbm.at[tb], dst_all)
    pltpu.sync_copy(zeros_hbm.at[pl.ds(sid * STRIPE, STRIPE)],
                    cnt_sh.at[pl.ds(sid * STRIPE, STRIPE)])
    plsc.subcore_barrier()

    def rnd(i, _):
        for k in range(_DEG_UN):
            pltpu.async_copy(ones_buf, cnt_sh.at[dst_all.at[i * _DEG_UN + k]],
                             sem, add=True)
        for k in range(_DEG_UN):
            pltpu.make_async_copy(
                ones_buf, cnt_sh.at[dst_all.at[i * _DEG_UN + k]], sem).wait()
        return 0
    lax.fori_loop(0, NCHUNK // _DEG_UN, rnd, 0)

    plsc.subcore_barrier()
    pltpu.sync_copy(cnt_sh.at[pl.ds(sid * STRIPE, STRIPE)],
                    out_hbm.at[cid, pl.ds(sid * STRIPE, STRIPE)])


@functools.lru_cache(maxsize=None)
def _deg_kernel_fn():
    return pl.kernel(
        _deg_body,
        out_type=jax.ShapeDtypeStruct((NC, NP, 16), jnp.float32),
        mesh=_sc_mesh(),
        scratch_types=[
            pltpu.VMEM((NCHUNK, CHUNK), jnp.int32),
            pltpu.VMEM((CHUNK, 16), jnp.float32),
            pltpu.VMEM_SHARED((NP, 16), jnp.float32),
            pltpu.SemaphoreType.DMA,
        ],
    )


def _deg_kernel(dst, zeros16):
    return _deg_kernel_fn()(dst, zeros16)


def _edge_body(g_hbm, src_hbm, dst_hbm, zeros_hbm, out_hbm,
               src_all, dstbuf, rows, acc_sh, gsems, dsems):
    cid = lax.axis_index("c")
    sid = lax.axis_index("s")
    tb = cid * NS + sid

    pltpu.sync_copy(src_hbm.at[tb], src_all)
    pltpu.sync_copy(zeros_hbm.at[pl.ds(sid * STRIPE, STRIPE)],
                    acc_sh.at[pl.ds(sid * STRIPE, STRIPE)])
    plsc.subcore_barrier()

    def fire(c, k):
        pltpu.async_copy(g_hbm.at[src_all.at[pl.ds(c * CHUNK, CHUNK)]],
                         rows.at[k], gsems.at[k])
        pltpu.async_copy(dst_hbm.at[tb, c], dstbuf.at[k], dsems.at[k])

    def consume(c, k):
        pltpu.make_async_copy(g_hbm.at[src_all.at[pl.ds(c * CHUNK, CHUNK)]],
                              rows.at[k], gsems.at[k]).wait()
        pltpu.make_async_copy(dst_hbm.at[tb, c], dstbuf.at[k],
                              dsems.at[k]).wait()
        pltpu.sync_copy(rows.at[k], acc_sh.at[dstbuf.at[k]], add=True)

    fire(0, 0)

    def body(i, _):
        for k in range(2):
            c = i * 2 + k

            @pl.when(c + 1 < NCHUNK)
            def _():
                fire(c + 1, (k + 1) % 2)

            consume(c, k)
        return 0
    lax.fori_loop(0, NCHUNK // 2, body, 0)

    plsc.subcore_barrier()
    pltpu.sync_copy(acc_sh.at[pl.ds(sid * STRIPE, STRIPE)],
                    out_hbm.at[cid, pl.ds(sid * STRIPE, STRIPE)])


@functools.lru_cache(maxsize=None)
def _edge_kernel_fn():
    return pl.kernel(
        _edge_body,
        out_type=jax.ShapeDtypeStruct((NC, NP, DP), jnp.float32),
        mesh=_sc_mesh(),
        scratch_types=[
            pltpu.VMEM((EPT,), jnp.int32),
            pltpu.VMEM((2, CHUNK), jnp.int32),
            pltpu.VMEM((2, CHUNK, DP), jnp.float32),
            pltpu.VMEM_SHARED((NP, DP), jnp.float32),
            pltpu.SemaphoreType.DMA((2,)),
            pltpu.SemaphoreType.DMA((2,)),
        ],
    )


def _edge_kernel(g, src, dst, zerosDP):
    return _edge_kernel_fn()(g, src, dst, zerosDP)



_RB = 1024


def _dinv_blk(cnt0, cnt1):
    deg = cnt0[:, :1] + cnt1[:, :1] + 1.0
    return lax.rsqrt(deg)


def _dense1_body(x_ref, w1_ref, cnt0_ref, cnt1_ref, h1_ref, g1_ref):
    h1 = jnp.dot(x_ref[...], w1_ref[...], preferred_element_type=jnp.float32)
    dinv = _dinv_blk(cnt0_ref[...], cnt1_ref[...])
    h1_ref[...] = h1
    g1_ref[...] = h1 * dinv


def _mid_body(s0_ref, s1_ref, h1_ref, cnt0_ref, cnt1_ref, b1_ref,
              x2_ref, g2_ref):
    dinv = _dinv_blk(cnt0_ref[...], cnt1_ref[...])
    s = s0_ref[...] + s1_ref[...]
    x2 = jnp.maximum(dinv * s + (dinv * dinv) * h1_ref[...] + b1_ref[...], 0.0)
    x2_ref[...] = x2
    g2_ref[...] = x2 * dinv


def _final_body(s0_ref, s1_ref, x2_ref, cnt0_ref, cnt1_ref,
                w2_ref, b2_ref, wfc_ref, bfc_ref, out_ref):
    dinv = _dinv_blk(cnt0_ref[...], cnt1_ref[...])
    ax2 = dinv * (s0_ref[...] + s1_ref[...]) + (dinv * dinv) * x2_ref[...]
    t = jnp.dot(ax2, w2_ref[...], preferred_element_type=jnp.float32)
    t = jnp.maximum(t + b2_ref[...], 0.0)
    out_ref[...] = jnp.dot(t, wfc_ref[...],
                           preferred_element_type=jnp.float32) + bfc_ref[...]


def _row_spec(d):
    return pl.BlockSpec((_RB, d), lambda i: (i, 0))


def _full_spec(r, c):
    return pl.BlockSpec((r, c), lambda i: (0, 0))



def kernel(edge_features, edge_indices, W1, b1, W2, b2, Wfc, bfc):
    f32 = jnp.float32
    ei = edge_indices.astype(jnp.int32)
    pad_e = E_PAD - E
    src = jnp.concatenate(
        [ei[0], jnp.full((pad_e,), N, jnp.int32)]).reshape(NW, EPT)
    dst = jnp.concatenate([ei[1], jnp.full((pad_e,), N, jnp.int32)])
    dst_e = dst.reshape(NW, NCHUNK, CHUNK)
    dst_deg = dst_e

    x = jnp.pad(edge_features.astype(f32), ((0, NP - N), (0, 0)))
    w1p = jnp.pad(W1.astype(f32), ((0, 0), (0, DP - D_H1)))
    b1p = jnp.pad(b1.astype(f32), (0, DP - D_H1)).reshape(1, DP)
    w2p = jnp.pad(W2.astype(f32), ((0, DP - D_H1), (0, 256 - D_H2)))
    b2p = jnp.pad(b2.astype(f32), (0, 256 - D_H2)).reshape(1, 256)
    wfcp = jnp.pad(Wfc.astype(f32), ((0, 256 - D_H2), (0, 0)))
    bfcp = bfc.astype(f32).reshape(1, D_OUT)

    zeros16 = jnp.zeros((NP, 16), f32)
    zerosDP = jnp.zeros((NP, DP), f32)

    cnt = _deg_kernel(dst_deg, zeros16)
    cnt0, cnt1 = cnt[0], cnt[1]

    grid = NP // _RB
    h1, g1 = pl.pallas_call(
        _dense1_body,
        grid=(grid,),
        in_specs=[_row_spec(D_IN), _full_spec(D_IN, DP),
                  _row_spec(16), _row_spec(16)],
        out_specs=[_row_spec(DP), _row_spec(DP)],
        out_shape=[jax.ShapeDtypeStruct((NP, DP), f32)] * 2,
    )(x, w1p, cnt0, cnt1)

    s1 = _edge_kernel(g1, src, dst_e, zerosDP)

    x2, g2 = pl.pallas_call(
        _mid_body,
        grid=(grid,),
        in_specs=[_row_spec(DP), _row_spec(DP), _row_spec(DP),
                  _row_spec(16), _row_spec(16), _full_spec(1, DP)],
        out_specs=[_row_spec(DP), _row_spec(DP)],
        out_shape=[jax.ShapeDtypeStruct((NP, DP), f32)] * 2,
    )(s1[0], s1[1], h1, cnt0, cnt1, b1p)

    s2 = _edge_kernel(g2, src, dst_e, zerosDP)

    out = pl.pallas_call(
        _final_body,
        grid=(grid,),
        in_specs=[_row_spec(DP), _row_spec(DP), _row_spec(DP),
                  _row_spec(16), _row_spec(16),
                  _full_spec(DP, 256), _full_spec(1, 256),
                  _full_spec(256, D_OUT), _full_spec(1, D_OUT)],
        out_specs=_row_spec(D_OUT),
        out_shape=jax.ShapeDtypeStruct((NP, D_OUT), f32),
    )(s2[0], s2[1], x2, cnt0, cnt1, w2p, b2p, wfcp, bfcp)

    return out[:N]

# --- scband reference (transcript-rebuilt; emitter-appended) ---
"""Pipeline reference for scband-simple-gnn-83958020702803 (READ-ONLY COPY).

The authoritative reference and input builder live on the scoring server;
editing this copy changes nothing except your own understanding.
"""

import jax, jax.numpy as jnp
import numpy as np

NUM_NODES = 10000
NUM_EDGES = 320000
D_IN = 128
D_H1 = 100
D_H2 = 200
D_OUT = 128


def gcn_conv(x, edge_index, W, b, num_nodes):
    # PyG-style GCNConv: x' = D^{-1/2} (A + I) D^{-1/2} X W + b
    src = edge_index[0]
    dst = edge_index[1]
    loop = jnp.arange(num_nodes, dtype=edge_index.dtype)
    src = jnp.concatenate([src, loop])
    dst = jnp.concatenate([dst, loop])
    deg = jnp.zeros((num_nodes,), dtype=x.dtype).at[dst].add(1.0)
    dinv = jnp.where(deg > 0, deg ** -0.5, 0.0)
    norm = dinv[src] * dinv[dst]
    h = x @ W
    msg = h[src] * norm[:, None]
    out = jnp.zeros((num_nodes, W.shape[1]), dtype=x.dtype).at[dst].add(msg)
    return out + b


def setup_inputs(seed: int = 0) -> dict:
    key = jax.random.key(seed)
    k1, k2, k3, k4, k5 = jax.random.split(key, 5)
    edge_features = jax.random.normal(k1, (NUM_NODES, D_IN), dtype=jnp.float32)
    edge_indices = jax.random.randint(k2, (2, NUM_EDGES), 0, NUM_NODES, dtype=jnp.int64)
    W1 = jax.random.normal(k3, (D_IN, D_H1), dtype=jnp.float32) * (1.0 / np.sqrt(D_IN))
    b1 = jnp.zeros((D_H1,), dtype=jnp.float32)
    W2 = jax.random.normal(k4, (D_H1, D_H2), dtype=jnp.float32) * (1.0 / np.sqrt(D_H1))
    b2 = jnp.zeros((D_H2,), dtype=jnp.float32)
    Wfc = jax.random.normal(k5, (D_H2, D_OUT), dtype=jnp.float32) * (1.0 / np.sqrt(D_H2))
    bfc = jnp.zeros((D_OUT,), dtype=jnp.float32)
    return {"edge_features": edge_features, "edge_indices": edge_indices,
            "W1": W1, "b1": b1, "W2": W2, "b2": b2, "Wfc": Wfc, "bfc": bfc}


def reference(edge_features, edge_indices, W1, b1, W2, b2, Wfc, bfc):
    x = gcn_conv(edge_features, edge_indices, W1, b1, NUM_NODES)
    x = jax.nn.relu(x)
    x = gcn_conv(x, edge_indices, W2, b2, NUM_NODES)
    x = jax.nn.relu(x)
    x = x @ Wfc + bfc
    return x

if __name__ == "__main__":
    import jax
    _d = setup_inputs()
    print(jax.jit(kernel)(*tuple(_d.values())))

</pallas_src>

<mosaic_0001>
#map = affine_map<(d0, d1) -> (0, 0)>
#map1 = affine_map<(d0, d1) -> (0, 0, 0)>
module attributes {stable_mosaic.version = 14 : i64} {
  func.func @_edge_body(%arg0: i32, %arg1: i32, %arg2: memref<10240x128xf32, #tpu.memory_space<hbm>>, %arg3: memref<32x10240xi32, #tpu.memory_space<hbm>>, %arg4: memref<32x80x128xi32, #tpu.memory_space<hbm>>, %arg5: memref<10240x128xf32, #tpu.memory_space<hbm>>, %arg6: memref<2x10240x128xf32, #tpu.memory_space<hbm>>, %arg7: memref<10240xi32, #tpu.memory_space<vmem>>, %arg8: memref<2x128xi32, #tpu.memory_space<vmem>>, %arg9: memref<2x128x128xf32, #tpu.memory_space<vmem>>, %arg10: memref<10240x128xf32, #tpu.memory_space<vmem_shared>>, %arg11: memref<2x!tpu.dma_semaphore, #tpu.memory_space<semaphore_mem>>, %arg12: memref<2x!tpu.dma_semaphore, #tpu.memory_space<semaphore_mem>>) attributes {dimension_semantics = [#tpu.dimension_semantics<core_parallel>, #tpu.dimension_semantics<subcore_parallel>], iteration_bounds = array<i64: 2, 16>, scalar_prefetch = 0 : i64, scratch_operands = 6 : i64, tpu.core_type = #tpu.core_type<sc_vector_subcore>, window_params = [{transform_indices = #map}, {transform_indices = #map}, {transform_indices = #map1}, {transform_indices = #map}, {transform_indices = #map1}]} {
    %mul3A = arith.constant 16 : i32
    %mul3A_0 = arith.muli %arg0, %mul3A : i32
    %add3A = arith.addi %mul3A_0, %arg1 : i32
    "tpu.region"() ({
      %run_scoped3A = tpu.sem_alloc : memref<!tpu.dma_semaphore, #tpu.memory_space<semaphore_mem>>
      %dma_start3A_45 = arith.constant 0 : i32
      %dma_start3A_46 = tpu.memref_slice %arg3[%add3A, %dma_start3A_45] : memref<32x10240xi32, #tpu.memory_space<hbm>> -> memref<1x10240xi32, #tpu.memory_space<hbm>>
      %dma_start3A_47 = tpu.memref_squeeze %dma_start3A_46 : memref<1x10240xi32, #tpu.memory_space<hbm>> -> memref<10240xi32, #tpu.memory_space<hbm>>
      %dma_start3A_48 = arith.constant 0 : i32
      %dma_start3A_49 = tpu.memref_slice %arg3[%add3A, %dma_start3A_48] : memref<32x10240xi32, #tpu.memory_space<hbm>> -> memref<1x10240xi32, #tpu.memory_space<hbm>>
      %dma_start3A_50 = tpu.memref_squeeze %dma_start3A_49 : memref<1x10240xi32, #tpu.memory_space<hbm>> -> memref<10240xi32, #tpu.memory_space<hbm>>
      tpu.enqueue_dma source(%dma_start3A_50 : memref<10240xi32, #tpu.memory_space<hbm>>) target(%arg7 : memref<10240xi32, #tpu.memory_space<vmem>>) target_semaphore(%run_scoped3A : memref<!tpu.dma_semaphore, #tpu.memory_space<semaphore_mem>>)
      %dma_wait3A = arith.constant 0 : i32
      %dma_wait3A_51 = tpu.memref_slice %arg3[%add3A, %dma_wait3A] : memref<32x10240xi32, #tpu.memory_space<hbm>> -> memref<1x10240xi32, #tpu.memory_space<hbm>>
      %dma_wait3A_52 = tpu.memref_squeeze %dma_wait3A_51 : memref<1x10240xi32, #tpu.memory_space<hbm>> -> memref<10240xi32, #tpu.memory_space<hbm>>
      %dma_wait3A_53 = arith.constant 0 : i32
      %dma_wait3A_54 = tpu.memref_slice %arg3[%add3A, %dma_wait3A_53] : memref<32x10240xi32, #tpu.memory_space<hbm>> -> memref<1x10240xi32, #tpu.memory_space<hbm>>
      %dma_wait3A_55 = tpu.memref_squeeze %dma_wait3A_54 : memref<1x10240xi32, #tpu.memory_space<hbm>> -> memref<10240xi32, #tpu.memory_space<hbm>>
      tpu.wait_dma2 semaphore(%run_scoped3A : memref<!tpu.dma_semaphore, #tpu.memory_space<semaphore_mem>>) src(%dma_wait3A_55 : memref<10240xi32, #tpu.memory_space<hbm>>) dst(%arg7 : memref<10240xi32, #tpu.memory_space<vmem>>)
      tpu.yield
    }) : () -> ()
    %mul3A_1 = arith.constant 640 : i32
    %mul3A_2 = arith.muli %arg1, %mul3A_1 : i32
    %mul3A_3 = arith.constant 640 : i32
    %mul3A_4 = arith.muli %arg1, %mul3A_3 : i32
    "tpu.region"() ({
      %run_scoped3A = tpu.sem_alloc : memref<!tpu.dma_semaphore, #tpu.memory_space<semaphore_mem>>
      %dma_start3A_45 = arith.constant 0 : i32
      %dma_start3A_46 = tpu.memref_slice %arg10[%mul3A_4, %dma_start3A_45] : memref<10240x128xf32, #tpu.memory_space<vmem_shared>> -> memref<640x128xf32, #tpu.memory_space<vmem_shared>>
      %dma_start3A_47 = arith.constant 0 : i32
      %dma_start3A_48 = tpu.memref_slice %arg5[%mul3A_2, %dma_start3A_47] : memref<10240x128xf32, #tpu.memory_space<hbm>> -> memref<640x128xf32, #tpu.memory_space<hbm>>
      tpu.enqueue_dma source(%dma_start3A_48 : memref<640x128xf32, #tpu.memory_space<hbm>>) target(%dma_start3A_46 : memref<640x128xf32, #tpu.memory_space<vmem_shared>>) target_semaphore(%run_scoped3A : memref<!tpu.dma_semaphore, #tpu.memory_space<semaphore_mem>>)
      %dma_wait3A = arith.constant 0 : i32
      %dma_wait3A_49 = tpu.memref_slice %arg10[%mul3A_4, %dma_wait3A] : memref<10240x128xf32, #tpu.memory_space<vmem_shared>> -> memref<640x128xf32, #tpu.memory_space<vmem_shared>>
      %dma_wait3A_50 = arith.constant 0 : i32
      %dma_wait3A_51 = tpu.memref_slice %arg5[%mul3A_2, %dma_wait3A_50] : memref<10240x128xf32, #tpu.memory_space<hbm>> -> memref<640x128xf32, #tpu.memory_space<hbm>>
      tpu.wait_dma2 semaphore(%run_scoped3A : memref<!tpu.dma_semaphore, #tpu.memory_space<semaphore_mem>>) src(%dma_wait3A_51 : memref<640x128xf32, #tpu.memory_space<hbm>>) dst(%dma_wait3A_49 : memref<640x128xf32, #tpu.memory_space<vmem_shared>>)
      tpu.yield
    }) : () -> ()
    %barrier3A = arith.constant 0 : index
    tpu.barrier barrier_id(%barrier3A)
    %dma_start3A = arith.constant 0 : i32
    %dma_start3A_5 = arith.constant 0 : i32
    %dma_start3A_6 = arith.constant 0 : i32
    %dma_start3A_7 = arith.constant 0 : i32
    %dma_start3A_8 = tpu.memref_slice %arg9[%dma_start3A, %dma_start3A_6, %dma_start3A_7] : memref<2x128x128xf32, #tpu.memory_space<vmem>> -> memref<1x128x128xf32, #tpu.memory_space<vmem>>
    %dma_start3A_9 = tpu.memref_squeeze %dma_start3A_8 : memref<1x128x128xf32, #tpu.memory_space<vmem>> -> memref<128x128xf32, #tpu.memory_space<vmem>>
    %dma_start3A_10 = arith.constant 0 : i32
    %dma_start3A_11 = tpu.memref_slice %arg7[%dma_start3A_10] : memref<10240xi32, #tpu.memory_space<vmem>> -> memref<128xi32, #tpu.memory_space<vmem>>
    %dma_start3A_12 = arith.constant 0 : i32
    %dma_start3A_13 = arith.constant 0 : i32
    %dma_start3A_14 = tpu.memref_slice %arg2[%dma_start3A_12, %dma_start3A_13] : memref<10240x128xf32, #tpu.memory_space<hbm>> -> memref<10240x128xf32, #tpu.memory_space<hbm>>
    %dma_start3A_15 = tpu.memref_slice %arg11[%dma_start3A_5] : memref<2x!tpu.dma_semaphore, #tpu.memory_space<semaphore_mem>> -> memref<1x!tpu.dma_semaphore, #tpu.memory_space<semaphore_mem>>
    %dma_start3A_16 = tpu.memref_squeeze %dma_start3A_15 : memref<1x!tpu.dma_semaphore, #tpu.memory_space<semaphore_mem>> -> memref<!tpu.dma_semaphore, #tpu.memory_space<semaphore_mem>>
    tpu.enqueue_indirect_dma source(%dma_start3A_14 : memref<10240x128xf32, #tpu.memory_space<hbm>>) target(%dma_start3A_9 : memref<128x128xf32, #tpu.memory_space<vmem>>) offsets(%dma_start3A_11 : memref<128xi32, #tpu.memory_space<vmem>>) semaphore(%dma_start3A_16 : memref<!tpu.dma_semaphore, #tpu.memory_space<semaphore_mem>>)
    %dma_start3A_17 = arith.constant 0 : i32
    %dma_start3A_18 = arith.constant 0 : i32
    %dma_start3A_19 = arith.constant 0 : i32
    %dma_start3A_20 = arith.constant 0 : i32
    %dma_start3A_21 = tpu.memref_slice %arg8[%dma_start3A_18, %dma_start3A_20] : memref<2x128xi32, #tpu.memory_space<vmem>> -> memref<1x128xi32, #tpu.memory_space<vmem>>
    %dma_start3A_22 = tpu.memref_squeeze %dma_start3A_21 : memref<1x128xi32, #tpu.memory_space<vmem>> -> memref<128xi32, #tpu.memory_space<vmem>>
    %dma_start3A_23 = arith.constant 0 : i32
    %dma_start3A_24 = tpu.memref_slice %arg4[%add3A, %dma_start3A_17, %dma_start3A_23] : memref<32x80x128xi32, #tpu.memory_space<hbm>> -> memref<1x1x128xi32, #tpu.memory_space<hbm>>
    %dma_start3A_25 = tpu.memref_squeeze %dma_start3A_24 : memref<1x1x128xi32, #tpu.memory_space<hbm>> -> memref<128xi32, #tpu.memory_space<hbm>>
    %dma_start3A_26 = tpu.memref_slice %arg12[%dma_start3A_19] : memref<2x!tpu.dma_semaphore, #tpu.memory_space<semaphore_mem>> -> memref<1x!tpu.dma_semaphore, #tpu.memory_space<semaphore_mem>>
    %dma_start3A_27 = tpu.memref_squeeze %dma_start3A_26 : memref<1x!tpu.dma_semaphore, #tpu.memory_space<semaphore_mem>> -> memref<!tpu.dma_semaphore, #tpu.memory_space<semaphore_mem>>
    %dma_start3A_28 = arith.constant 0 : i32
    %dma_start3A_29 = tpu.memref_slice %arg8[%dma_start3A_18, %dma_start3A_28] : memref<2x128xi32, #tpu.memory_space<vmem>> -> memref<1x128xi32, #tpu.memory_space<vmem>>
    %dma_start3A_30 = tpu.memref_squeeze %dma_start3A_29 : memref<1x128xi32, #tpu.memory_space<vmem>> -> memref<128xi32, #tpu.memory_space<vmem>>
    %dma_start3A_31 = arith.constant 0 : i32
    %dma_start3A_32 = tpu.memref_slice %arg4[%add3A, %dma_start3A_17, %dma_start3A_31] : memref<32x80x128xi32, #tpu.memory_space<hbm>> -> memref<1x1x128xi32, #tpu.memory_space<hbm>>
    %dma_start3A_33 = tpu.memref_squeeze %dma_start3A_32 : memref<1x1x128xi32, #tpu.memory_space<hbm>> -> memref<128xi32, #tpu.memory_space<hbm>>
    tpu.enqueue_dma source(%dma_start3A_33 : memref<128xi32, #tpu.memory_space<hbm>>) target(%dma_start3A_30 : memref<128xi32, #tpu.memory_space<vmem>>) target_semaphore(%dma_start3A_27 : memref<!tpu.dma_semaphore, #tpu.memory_space<semaphore_mem>>)
    %scan3A = arith.constant 0 : i32
    %scan3A_34 = arith.constant 0 : i32
    %scan3A_35 = arith.constant 40 : i32
    %scan3A_36 = arith.addi %scan3A_34, %scan3A_35 : i32
    %scan3A_37 = arith.constant 1 : i32
    %scan3A_38 = scf.for %scan3A_45 = %scan3A_34 to %scan3A_36 step %scan3A_37 iter_args(%scan3A_46 = %scan3A) -> (i32)  : i32 {
      %mul3A_47 = arith.constant 2 : i32
      %mul3A_48 = arith.muli %scan3A_45, %mul3A_47 : i32
      %add3A_49 = arith.constant 0 : i32
      %add3A_50 = arith.addi %mul3A_48, %add3A_49 : i32
      %add3A_51 = arith.constant 1 : i32
      %add3A_52 = arith.addi %add3A_50, %add3A_51 : i32
      %lt3A = arith.constant 80 : i32
      %lt3A_53 = arith.cmpi slt, %add3A_52, %lt3A : i32
      %convert_element_type3A = arith.extui %lt3A_53 : i1 to i32
      %cond3A = arith.constant 0 : i32
      %cond3A_54 = arith.cmpi ne, %convert_element_type3A, %cond3A : i32
      scf.if %cond3A_54 {
        %add3A_129 = arith.constant 1 : i32
        %add3A_130 = arith.addi %add3A_50, %add3A_129 : i32
        %mul3A_131 = arith.constant 128 : i32
        %mul3A_132 = arith.muli %add3A_130, %mul3A_131 : i32
        %dma_start3A_133 = arith.constant 1 : i32
        %dma_start3A_134 = arith.constant 1 : i32
        %dma_start3A_135 = arith.constant 0 : i32
        %dma_start3A_136 = arith.constant 0 : i32
        %dma_start3A_137 = tpu.memref_slice %arg9[%dma_start3A_133, %dma_start3A_135, %dma_start3A_136] : memref<2x128x128xf32, #tpu.memory_space<vmem>> -> memref<1x128x128xf32, #tpu.memory_space<vmem>>
        %dma_start3A_138 = tpu.memref_squeeze %dma_start3A_137 : memref<1x128x128xf32, #tpu.memory_space<vmem>> -> memref<128x128xf32, #tpu.memory_space<vmem>>
        %dma_start3A_139 = tpu.memref_slice %arg7[%mul3A_132] : memref<10240xi32, #tpu.memory_space<vmem>> -> memref<128xi32, #tpu.memory_space<vmem>>
        %dma_start3A_140 = arith.constant 0 : i32
        %dma_start3A_141 = arith.constant 0 : i32
        %dma_start3A_142 = tpu.memref_slice %arg2[%dma_start3A_140, %dma_start3A_141] : memref<10240x128xf32, #tpu.memory_space<hbm>> -> memref<10240x128xf32, #tpu.memory_space<hbm>>
        %dma_start3A_143 = tpu.memref_slice %arg11[%dma_start3A_134] : memref<2x!tpu.dma_semaphore, #tpu.memory_space<semaphore_mem>> -> memref<1x!tpu.dma_semaphore, #tpu.memory_space<semaphore_mem>>
        %dma_start3A_144 = tpu.memref_squeeze %dma_start3A_143 : memref<1x!tpu.dma_semaphore, #tpu.memory_space<semaphore_mem>> -> memref<!tpu.dma_semaphore, #tpu.memory_space<semaphore_mem>>
        tpu.enqueue_indirect_dma source(%dma_start3A_142 : memref<10240x128xf32, #tpu.memory_space<hbm>>) target(%dma_start3A_138 : memref<128x128xf32, #tpu.memory_space<vmem>>) offsets(%dma_start3A_139 : memref<128xi32, #tpu.memory_space<vmem>>) semaphore(%dma_start3A_144 : memref<!tpu.dma_semaphore, #tpu.memory_space<semaphore_mem>>)
        %dma_start3A_145 = arith.constant 1 : i32
        %dma_start3A_146 = arith.constant 1 : i32
        %dma_start3A_147 = arith.constant 0 : i32
        %dma_start3A_148 = tpu.memref_slice %arg8[%dma_start3A_145, %dma_start3A_147] : memref<2x128xi32, #tpu.memory_space<vmem>> -> memref<1x128xi32, #tpu.memory_space<vmem>>
        %dma_start3A_149 = tpu.memref_squeeze %dma_start3A_148 : memref<1x128xi32, #tpu.memory_space<vmem>> -> memref<128xi32, #tpu.memory_space<vmem>>
        %dma_start3A_150 = arith.constant 0 : i32
        %dma_start3A_151 = tpu.memref_slice %arg4[%add3A, %add3A_130, %dma_start3A_150] : memref<32x80x128xi32, #tpu.memory_space<hbm>> -> memref<1x1x128xi32, #tpu.memory_space<hbm>>
        %dma_start3A_152 = tpu.memref_squeeze %dma_start3A_151 : memref<1x1x128xi32, #tpu.memory_space<hbm>> -> memref<128xi32, #tpu.memory_space<hbm>>
        %dma_start3A_153 = tpu.memref_slice %arg12[%dma_start3A_146] : memref<2x!tpu.dma_semaphore, #tpu.memory_space<semaphore_mem>> -> memref<1x!tpu.dma_semaphore, #tpu.memory_space<semaphore_mem>>
        %dma_start3A_154 = tpu.memref_squeeze %dma_start3A_153 : memref<1x!tpu.dma_semaphore, #tpu.memory_space<semaphore_mem>> -> memref<!tpu.dma_semaphore, #tpu.memory_space<semaphore_mem>>
        %dma_start3A_155 = arith.constant 0 : i32
        %dma_start3A_156 = tpu.memref_slice %arg8[%dma_start3A_145, %dma_start3A_155] : memref<2x128xi32, #tpu.memory_space<vmem>> -> memref<1x128xi32, #tpu.memory_space<vmem>>
        %dma_start3A_157 = tpu.memref_squeeze %dma_start3A_156 : memref<1x128xi32, #tpu.memory_space<vmem>> -> memref<128xi32, #tpu.memory_space<vmem>>
        %dma_start3A_158 = arith.constant 0 : i32
        %dma_start3A_159 = tpu.memref_slice %arg4[%add3A, %add3A_130, %dma_start3A_158] : memref<32x80x128xi32, #tpu.memory_space<hbm>> -> memref<1x1x128xi32, #tpu.memory_space<hbm>>
        %dma_start3A_160 = tpu.memref_squeeze %dma_start3A_159 : memref<1x1x128xi32, #tpu.memory_space<hbm>> -> memref<128xi32, #tpu.memory_space<hbm>>
        tpu.enqueue_dma source(%dma_start3A_160 : memref<128xi32, #tpu.memory_space<hbm>>) target(%dma_start3A_157 : memref<128xi32, #tpu.memory_space<vmem>>) target_semaphore(%dma_start3A_154 : memref<!tpu.dma_semaphore, #tpu.memory_space<semaphore_mem>>)
      } else {
      }
      %mul3A_55 = arith.constant 128 : i32
      %mul3A_56 = arith.muli %add3A_50, %mul3A_55 : i32
      %dma_wait3A = arith.constant 0 : i32
      %dma_wait3A_57 = arith.constant 0 : i32
      %dma_wait3A_58 = arith.constant 0 : i32
      %dma_wait3A_59 = arith.constant 0 : i32
      %dma_wait3A_60 = tpu.memref_slice %arg9[%dma_wait3A, %dma_wait3A_58, %dma_wait3A_59] : memref<2x128x128xf32, #tpu.memory_space<vmem>> -> memref<1x128x128xf32, #tpu.memory_space<vmem>>
      %dma_wait3A_61 = tpu.memref_squeeze %dma_wait3A_60 : memref<1x128x128xf32, #tpu.memory_space<vmem>> -> memref<128x128xf32, #tpu.memory_space<vmem>>
      %dma_wait3A_62 = tpu.memref_slice %arg7[%mul3A_56] : memref<10240xi32, #tpu.memory_space<vmem>> -> memref<128xi32, #tpu.memory_space<vmem>>
      %dma_wait3A_63 = arith.constant 0 : i32
      %dma_wait3A_64 = arith.constant 0 : i32
      %dma_wait3A_65 = tpu.memref_slice %arg2[%dma_wait3A_63, %dma_wait3A_64] : memref<10240x128xf32, #tpu.memory_space<hbm>> -> memref<10240x128xf32, #tpu.memory_space<hbm>>
      %dma_wait3A_66 = tpu.memref_slice %arg11[%dma_wait3A_57] : memref<2x!tpu.dma_semaphore, #tpu.memory_space<semaphore_mem>> -> memref<1x!tpu.dma_semaphore, #tpu.memory_space<semaphore_mem>>
      %dma_wait3A_67 = tpu.memref_squeeze %dma_wait3A_66 : memref<1x!tpu.dma_semaphore, #tpu.memory_space<semaphore_mem>> -> memref<!tpu.dma_semaphore, #tpu.memory_space<semaphore_mem>>
      tpu.wait_indirect_dma semaphore(%dma_wait3A_67 : memref<!tpu.dma_semaphore, #tpu.memory_space<semaphore_mem>>) src(%dma_wait3A_65 : memref<10240x128xf32, #tpu.memory_space<hbm>>) dst(%dma_wait3A_61 : memref<128x128xf32, #tpu.memory_space<vmem>>)
      %dma_wait3A_68 = arith.constant 0 : i32
      %dma_wait3A_69 = arith.constant 0 : i32
      %dma_wait3A_70 = arith.constant 0 : i32
      %dma_wait3A_71 = tpu.memref_slice %arg8[%dma_wait3A_68, %dma_wait3A_70] : memref<2x128xi32, #tpu.memory_space<vmem>> -> memref<1x128xi32, #tpu.memory_space<vmem>>
      %dma_wait3A_72 = tpu.memref_squeeze %dma_wait3A_71 : memref<1x128xi32, #tpu.memory_space<vmem>> -> memref<128xi32, #tpu.memory_space<vmem>>
      %dma_wait3A_73 = arith.constant 0 : i32
      %dma_wait3A_74 = tpu.memref_slice %arg4[%add3A, %add3A_50, %dma_wait3A_73] : memref<32x80x128xi32, #tpu.memory_space<hbm>> -> memref<1x1x128xi32, #tpu.memory_space<hbm>>
      %dma_wait3A_75 = tpu.memref_squeeze %dma_wait3A_74 : memref<1x1x128xi32, #tpu.memory_space<hbm>> -> memref<128xi32, #tpu.memory_space<hbm>>
      %dma_wait3A_76 = tpu.memref_slice %arg12[%dma_wait3A_69] : memref<2x!tpu.dma_semaphore, #tpu.memory_space<semaphore_mem>> -> memref<1x!tpu.dma_semaphore, #tpu.memory_space<semaphore_mem>>
      %dma_wait3A_77 = tpu.memref_squeeze %dma_wait3A_76 : memref<1x!tpu.dma_semaphore, #tpu.memory_space<semaphore_mem>> -> memref<!tpu.dma_semaphore, #tpu.memory_space<semaphore_mem>>
      %dma_wait3A_78 = arith.constant 0 : i32
      %dma_wait3A_79 = tpu.memref_slice %arg8[%dma_wait3A_68, %dma_wait3A_78] : memref<2x128xi32, #tpu.memory_space<vmem>> -> memref<1x128xi32, #tpu.memory_space<vmem>>
      %dma_wait3A_80 = tpu.memref_squeeze %dma_wait3A_79 : memref<1x128xi32, #tpu.memory_space<vmem>> -> memref<128xi32, #tpu.memory_space<vmem>>
      %dma_wait3A_81 = arith.constant 0 : i32
      %dma_wait3A_82 = tpu.memref_slice %arg4[%add3A, %add3A_50, %dma_wait3A_81] : memref<32x80x128xi32, #tpu.memory_space<hbm>> -> memref<1x1x128xi32, #tpu.memory_space<hbm>>
      %dma_wait3A_83 = tpu.memref_squeeze %dma_wait3A_82 : memref<1x1x128xi32, #tpu.memory_space<hbm>> -> memref<128xi32, #tpu.memory_space<hbm>>
      tpu.wait_dma2 semaphore(%dma_wait3A_77 : memref<!tpu.dma_semaphore, #tpu.memory_space<semaphore_mem>>) src(%dma_wait3A_83 : memref<128xi32, #tpu.memory_space<hbm>>) dst(%dma_wait3A_80 : memref<128xi32, #tpu.memory_space<vmem>>)
      %run_scoped3A = arith.constant 0 : i32
      %run_scoped3A_84 = arith.constant 0 : i32
      "tpu.region"() ({
        %run_scoped3A_129 = tpu.sem_alloc : memref<!tpu.dma_semaphore, #tpu.memory_space<semaphore_mem>>
        %dma_start3A_130 = arith.constant 0 : i32
        %dma_start3A_131 = arith.constant 0 : i32
        %dma_start3A_132 = tpu.memref_slice %arg9[%run_scoped3A, %dma_start3A_130, %dma_start3A_131] : memref<2x128x128xf32, #tpu.memory_space<vmem>> -> memref<1x128x128xf32, #tpu.memory_space<vmem>>
        %dma_start3A_133 = tpu.memref_squeeze %dma_start3A_132 : memref<1x128x128xf32, #tpu.memory_space<vmem>> -> memref<128x128xf32, #tpu.memory_space<vmem>>
        %dma_start3A_134 = arith.constant 0 : i32
        %dma_start3A_135 = tpu.memref_slice %arg8[%run_scoped3A_84, %dma_start3A_134] : memref<2x128xi32, #tpu.memory_space<vmem>> -> memref<1x128xi32, #tpu.memory_space<vmem>>
        %dma_start3A_136 = tpu.memref_squeeze %dma_start3A_135 : memref<1x128xi32, #tpu.memory_space<vmem>> -> memref<128xi32, #tpu.memory_space<vmem>>
        %dma_start3A_137 = arith.constant 0 : i32
        %dma_start3A_138 = arith.constant 0 : i32
        %dma_start3A_139 = tpu.memref_slice %arg10[%dma_start3A_137, %dma_start3A_138] : memref<10240x128xf32, #tpu.memory_space<vmem_shared>> -> memref<10240x128xf32, #tpu.memory_space<vmem_shared>>
        tpu.enqueue_indirect_dma source(%dma_start3A_133 : memref<128x128xf32, #tpu.memory_space<vmem>>) target(%dma_start3A_139 : memref<10240x128xf32, #tpu.memory_space<vmem_shared>>) offsets(%dma_start3A_136 : memref<128xi32, #tpu.memory_space<vmem>>) semaphore(%run_scoped3A_129 : memref<!tpu.dma_semaphore, #tpu.memory_space<semaphore_mem>>) {add = true}
        %dma_wait3A_140 = arith.constant 0 : i32
        %dma_wait3A_141 = arith.constant 0 : i32
        %dma_wait3A_142 = tpu.memref_slice %arg9[%run_scoped3A, %dma_wait3A_140, %dma_wait3A_141] : memref<2x128x128xf32, #tpu.memory_space<vmem>> -> memref<1x128x128xf32, #tpu.memory_space<vmem>>
        %dma_wait3A_143 = tpu.memref_squeeze %dma_wait3A_142 : memref<1x128x128xf32, #tpu.memory_space<vmem>> -> memref<128x128xf32, #tpu.memory_space<vmem>>
        %dma_wait3A_144 = arith.constant 0 : i32
        %dma_wait3A_145 = tpu.memref_slice %arg8[%run_scoped3A_84, %dma_wait3A_144] : memref<2x128xi32, #tpu.memory_space<vmem>> -> memref<1x128xi32, #tpu.memory_space<vmem>>
        %dma_wait3A_146 = tpu.memref_squeeze %dma_wait3A_145 : memref<1x128xi32, #tpu.memory_space<vmem>> -> memref<128xi32, #tpu.memory_space<vmem>>
        %dma_wait3A_147 = arith.constant 0 : i32
        %dma_wait3A_148 = arith.constant 0 : i32
        %dma_wait3A_149 = tpu.memref_slice %arg10[%dma_wait3A_147, %dma_wait3A_148] : memref<10240x128xf32, #tpu.memory_space<vmem_shared>> -> memref<10240x128xf32, #tpu.memory_space<vmem_shared>>
        tpu.wait_indirect_dma semaphore(%run_scoped3A_129 : memref<!tpu.dma_semaphore, #tpu.memory_space<semaphore_mem>>) src(%dma_wait3A_143 : memref<128x128xf32, #tpu.memory_space<vmem>>) dst(%dma_wait3A_149 : memref<10240x128xf32, #tpu.memory_space<vmem_shared>>)
        tpu.yield
      }) : () -> ()
      %mul3A_85 = arith.constant 2 : i32
      %mul3A_86 = arith.muli %scan3A_45, %mul3A_85 : i32
      %add3A_87 = arith.constant 1 : i32
      %add3A_88 = arith.addi %mul3A_86, %add3A_87 : i32
      %add3A_89 = arith.constant 1 : i32
      %add3A_90 = arith.addi %add3A_88, %add3A_89 : i32
      %lt3A_91 = arith.constant 80 : i32
      %lt3A_92 = arith.cmpi slt, %add3A_90, %lt3A_91 : i32
      %convert_element_type3A_93 = arith.extui %lt3A_92 : i1 to i32
      %cond3A_94 = arith.constant 0 : i32
      %cond3A_95 = arith.cmpi ne, %convert_element_type3A_93, %cond3A_94 : i32
      scf.if %cond3A_95 {
        %add3A_129 = arith.constant 1 : i32
        %add3A_130 = arith.addi %add3A_88, %add3A_129 : i32
        %mul3A_131 = arith.constant 128 : i32
        %mul3A_132 = arith.muli %add3A_130, %mul3A_131 : i32
        %dma_start3A_133 = arith.constant 0 : i32
        %dma_start3A_134 = arith.constant 0 : i32
        %dma_start3A_135 = arith.constant 0 : i32
        %dma_start3A_136 = arith.constant 0 : i32
        %dma_start3A_137 = tpu.memref_slice %arg9[%dma_start3A_133, %dma_start3A_135, %dma_start3A_136] : memref<2x128x128xf32, #tpu.memory_space<vmem>> -> memref<1x128x128xf32, #tpu.memory_space<vmem>>
        %dma_start3A_138 = tpu.memref_squeeze %dma_start3A_137 : memref<1x128x128xf32, #tpu.memory_space<vmem>> -> memref<128x128xf32, #tpu.memory_space<vmem>>
        %dma_start3A_139 = tpu.memref_slice %arg7[%mul3A_132] : memref<10240xi32, #tpu.memory_space<vmem>> -> memref<128xi32, #tpu.memory_space<vmem>>
        %dma_start3A_140 = arith.constant 0 : i32
        %dma_start3A_141 = arith.constant 0 : i32
        %dma_start3A_142 = tpu.memref_slice %arg2[%dma_start3A_140, %dma_start3A_141] : memref<10240x128xf32, #tpu.memory_space<hbm>> -> memref<10240x128xf32, #tpu.memory_space<hbm>>
        %dma_start3A_143 = tpu.memref_slice %arg11[%dma_start3A_134] : memref<2x!tpu.dma_semaphore, #tpu.memory_space<semaphore_mem>> -> memref<1x!tpu.dma_semaphore, #tpu.memory_space<semaphore_mem>>
        %dma_start3A_144 = tpu.memref_squeeze %dma_start3A_143 : memref<1x!tpu.dma_semaphore, #tpu.memory_space<semaphore_mem>> -> memref<!tpu.dma_semaphore, #tpu.memory_space<semaphore_mem>>
        tpu.enqueue_indirect_dma source(%dma_start3A_142 : memref<10240x128xf32, #tpu.memory_space<hbm>>) target(%dma_start3A_138 : memref<128x128xf32, #tpu.memory_space<vmem>>) offsets(%dma_start3A_139 : memref<128xi32, #tpu.memory_space<vmem>>) semaphore(%dma_start3A_144 : memref<!tpu.dma_semaphore, #tpu.memory_space<semaphore_mem>>)
        %dma_start3A_145 = arith.constant 0 : i32
        %dma_start3A_146 = arith.constant 0 : i32
        %dma_start3A_147 = arith.constant 0 : i32
        %dma_start3A_148 = tpu.memref_slice %arg8[%dma_start3A_145, %dma_start3A_147] : memref<2x128xi32, #tpu.memory_space<vmem>> -> memref<1x128xi32, #tpu.memory_space<vmem>>
        %dma_start3A_149 = tpu.memref_squeeze %dma_start3A_148 : memref<1x128xi32, #tpu.memory_space<vmem>> -> memref<128xi32, #tpu.memory_space<vmem>>
        %dma_start3A_150 = arith.constant 0 : i32
        %dma_start3A_151 = tpu.memref_slice %arg4[%add3A, %add3A_130, %dma_start3A_150] : memref<32x80x128xi32, #tpu.memory_space<hbm>> -> memref<1x1x128xi32, #tpu.memory_space<hbm>>
        %dma_start3A_152 = tpu.memref_squeeze %dma_start3A_151 : memref<1x1x128xi32, #tpu.memory_space<hbm>> -> memref<128xi32, #tpu.memory_space<hbm>>
        %dma_start3A_153 = tpu.memref_slice %arg12[%dma_start3A_146] : memref<2x!tpu.dma_semaphore, #tpu.memory_space<semaphore_mem>> -> memref<1x!tpu.dma_semaphore, #tpu.memory_space<semaphore_mem>>
        %dma_start3A_154 = tpu.memref_squeeze %dma_start3A_153 : memref<1x!tpu.dma_semaphore, #tpu.memory_space<semaphore_mem>> -> memref<!tpu.dma_semaphore, #tpu.memory_space<semaphore_mem>>
        %dma_start3A_155 = arith.constant 0 : i32
        %dma_start3A_156 = tpu.memref_slice %arg8[%dma_start3A_145, %dma_start3A_155] : memref<2x128xi32, #tpu.memory_space<vmem>> -> memref<1x128xi32, #tpu.memory_space<vmem>>
        %dma_start3A_157 = tpu.memref_squeeze %dma_start3A_156 : memref<1x128xi32, #tpu.memory_space<vmem>> -> memref<128xi32, #tpu.memory_space<vmem>>
        %dma_start3A_158 = arith.constant 0 : i32
        %dma_start3A_159 = tpu.memref_slice %arg4[%add3A, %add3A_130, %dma_start3A_158] : memref<32x80x128xi32, #tpu.memory_space<hbm>> -> memref<1x1x128xi32, #tpu.memory_space<hbm>>
        %dma_start3A_160 = tpu.memref_squeeze %dma_start3A_159 : memref<1x1x128xi32, #tpu.memory_space<hbm>> -> memref<128xi32, #tpu.memory_space<hbm>>
        tpu.enqueue_dma source(%dma_start3A_160 : memref<128xi32, #tpu.memory_space<hbm>>) target(%dma_start3A_157 : memref<128xi32, #tpu.memory_space<vmem>>) target_semaphore(%dma_start3A_154 : memref<!tpu.dma_semaphore, #tpu.memory_space<semaphore_mem>>)
      } else {
      }
      %mul3A_96 = arith.constant 128 : i32
      %mul3A_97 = arith.muli %add3A_88, %mul3A_96 : i32
      %dma_wait3A_98 = arith.constant 1 : i32
      %dma_wait3A_99 = arith.constant 1 : i32
      %dma_wait3A_100 = arith.constant 0 : i32
      %dma_wait3A_101 = arith.constant 0 : i32
      %dma_wait3A_102 = tpu.memref_slice %arg9[%dma_wait3A_98, %dma_wait3A_100, %dma_wait3A_101] : memref<2x128x128xf32, #tpu.memory_space<vmem>> -> memref<1x128x128xf32, #tpu.memory_space<vmem>>
      %dma_wait3A_103 = tpu.memref_squeeze %dma_wait3A_102 : memref<1x128x128xf32, #tpu.memory_space<vmem>> -> memref<128x128xf32, #tpu.memory_space<vmem>>
      %dma_wait3A_104 = tpu.memref_slice %arg7[%mul3A_97] : memref<10240xi32, #tpu.memory_space<vmem>> -> memref<128xi32, #tpu.memory_space<vmem>>
      %dma_wait3A_105 = arith.constant 0 : i32
      %dma_wait3A_106 = arith.constant 0 : i32
      %dma_wait3A_107 = tpu.memref_slice %arg2[%dma_wait3A_105, %dma_wait3A_106] : memref<10240x128xf32, #tpu.memory_space<hbm>> -> memref<10240x128xf32, #tpu.memory_space<hbm>>
      %dma_wait3A_108 = tpu.memref_slice %arg11[%dma_wait3A_99] : memref<2x!tpu.dma_semaphore, #tpu.memory_space<semaphore_mem>> -> memref<1x!tpu.dma_semaphore, #tpu.memory_space<semaphore_mem>>
      %dma_wait3A_109 = tpu.memref_squeeze %dma_wait3A_108 : memref<1x!tpu.dma_semaphore, #tpu.memory_space<semaphore_mem>> -> memref<!tpu.dma_semaphore, #tpu.memory_space<semaphore_mem>>
      tpu.wait_indirect_dma semaphore(%dma_wait3A_109 : memref<!tpu.dma_semaphore, #tpu.memory_space<semaphore_mem>>) src(%dma_wait3A_107 : memref<10240x128xf32, #tpu.memory_space<hbm>>) dst(%dma_wait3A_103 : memref<128x128xf32, #tpu.memory_space<vmem>>)
      %dma_wait3A_110 = arith.constant 1 : i32
      %dma_wait3A_111 = arith.constant 1 : i32
      %dma_wait3A_112 = arith.constant 0 : i32
      %dma_wait3A_113 = tpu.memref_slice %arg8[%dma_wait3A_110, %dma_wait3A_112] : memref<2x128xi32, #tpu.memory_space<vmem>> -> memref<1x128xi32, #tpu.memory_space<vmem>>
      %dma_wait3A_114 = tpu.memref_squeeze %dma_wait3A_113 : memref<1x128xi32, #tpu.memory_space<vmem>> -> memref<128xi32, #tpu.memory_space<vmem>>
      %dma_wait3A_115 = arith.constant 0 : i32
      %dma_wait3A_116 = tpu.memref_slice %arg4[%add3A, %add3A_88, %dma_wait3A_115] : memref<32x80x128xi32, #tpu.memory_space<hbm>> -> memref<1x1x128xi32, #tpu.memory_space<hbm>>
      %dma_wait3A_117 = tpu.memref_squeeze %dma_wait3A_116 : memref<1x1x128xi32, #tpu.memory_space<hbm>> -> memref<128xi32, #tpu.memory_space<hbm>>
      %dma_wait3A_118 = tpu.memref_slice %arg12[%dma_wait3A_111] : memref<2x!tpu.dma_semaphore, #tpu.memory_space<semaphore_mem>> -> memref<1x!tpu.dma_semaphore, #tpu.memory_space<semaphore_mem>>
      %dma_wait3A_119 = tpu.memref_squeeze %dma_wait3A_118 : memref<1x!tpu.dma_semaphore, #tpu.memory_space<semaphore_mem>> -> memref<!tpu.dma_semaphore, #tpu.memory_space<semaphore_mem>>
      %dma_wait3A_120 = arith.constant 0 : i32
      %dma_wait3A_121 = tpu.memref_slice %arg8[%dma_wait3A_110, %dma_wait3A_120] : memref<2x128xi32, #tpu.memory_space<vmem>> -> memref<1x128xi32, #tpu.memory_space<vmem>>
      %dma_wait3A_122 = tpu.memref_squeeze %dma_wait3A_121 : memref<1x128xi32, #tpu.memory_space<vmem>> -> memref<128xi32, #tpu.memory_space<vmem>>
      %dma_wait3A_123 = arith.constant 0 : i32
      %dma_wait3A_124 = tpu.memref_slice %arg4[%add3A, %add3A_88, %dma_wait3A_123] : memref<32x80x128xi32, #tpu.memory_space<hbm>> -> memref<1x1x128xi32, #tpu.memory_space<hbm>>
      %dma_wait3A_125 = tpu.memref_squeeze %dma_wait3A_124 : memref<1x1x128xi32, #tpu.memory_space<hbm>> -> memref<128xi32, #tpu.memory_space<hbm>>
      tpu.wait_dma2 semaphore(%dma_wait3A_119 : memref<!tpu.dma_semaphore, #tpu.memory_space<semaphore_mem>>) src(%dma_wait3A_125 : memref<128xi32, #tpu.memory_space<hbm>>) dst(%dma_wait3A_122 : memref<128xi32, #tpu.memory_space<vmem>>)
      %run_scoped3A_126 = arith.constant 1 : i32
      %run_scoped3A_127 = arith.constant 1 : i32
      "tpu.region"() ({
        %run_scoped3A_129 = tpu.sem_alloc : memref<!tpu.dma_semaphore, #tpu.memory_space<semaphore_mem>>
        %dma_start3A_130 = arith.constant 0 : i32
        %dma_start3A_131 = arith.constant 0 : i32
        %dma_start3A_132 = tpu.memref_slice %arg9[%run_scoped3A_126, %dma_start3A_130, %dma_start3A_131] : memref<2x128x128xf32, #tpu.memory_space<vmem>> -> memref<1x128x128xf32, #tpu.memory_space<vmem>>
        %dma_start3A_133 = tpu.memref_squeeze %dma_start3A_132 : memref<1x128x128xf32, #tpu.memory_space<vmem>> -> memref<128x128xf32, #tpu.memory_space<vmem>>
        %dma_start3A_134 = arith.constant 0 : i32
        %dma_start3A_135 = tpu.memref_slice %arg8[%run_scoped3A_127, %dma_start3A_134] : memref<2x128xi32, #tpu.memory_space<vmem>> -> memref<1x128xi32, #tpu.memory_space<vmem>>
        %dma_start3A_136 = tpu.memref_squeeze %dma_start3A_135 : memref<1x128xi32, #tpu.memory_space<vmem>> -> memref<128xi32, #tpu.memory_space<vmem>>
        %dma_start3A_137 = arith.constant 0 : i32
        %dma_start3A_138 = arith.constant 0 : i32
        %dma_start3A_139 = tpu.memref_slice %arg10[%dma_start3A_137, %dma_start3A_138] : memref<10240x128xf32, #tpu.memory_space<vmem_shared>> -> memref<10240x128xf32, #tpu.memory_space<vmem_shared>>
        tpu.enqueue_indirect_dma source(%dma_start3A_133 : memref<128x128xf32, #tpu.memory_space<vmem>>) target(%dma_start3A_139 : memref<10240x128xf32, #tpu.memory_space<vmem_shared>>) offsets(%dma_start3A_136 : memref<128xi32, #tpu.memory_space<vmem>>) semaphore(%run_scoped3A_129 : memref<!tpu.dma_semaphore, #tpu.memory_space<semaphore_mem>>) {add = true}
        %dma_wait3A_140 = arith.constant 0 : i32
        %dma_wait3A_141 = arith.constant 0 : i32
        %dma_wait3A_142 = tpu.memref_slice %arg9[%run_scoped3A_126, %dma_wait3A_140, %dma_wait3A_141] : memref<2x128x128xf32, #tpu.memory_space<vmem>> -> memref<1x128x128xf32, #tpu.memory_space<vmem>>
        %dma_wait3A_143 = tpu.memref_squeeze %dma_wait3A_142 : memref<1x128x128xf32, #tpu.memory_space<vmem>> -> memref<128x128xf32, #tpu.memory_space<vmem>>
        %dma_wait3A_144 = arith.constant 0 : i32
        %dma_wait3A_145 = tpu.memref_slice %arg8[%run_scoped3A_127, %dma_wait3A_144] : memref<2x128xi32, #tpu.memory_space<vmem>> -> memref<1x128xi32, #tpu.memory_space<vmem>>
        %dma_wait3A_146 = tpu.memref_squeeze %dma_wait3A_145 : memref<1x128xi32, #tpu.memory_space<vmem>> -> memref<128xi32, #tpu.memory_space<vmem>>
        %dma_wait3A_147 = arith.constant 0 : i32
        %dma_wait3A_148 = arith.constant 0 : i32
        %dma_wait3A_149 = tpu.memref_slice %arg10[%dma_wait3A_147, %dma_wait3A_148] : memref<10240x128xf32, #tpu.memory_space<vmem_shared>> -> memref<10240x128xf32, #tpu.memory_space<vmem_shared>>
        tpu.wait_indirect_dma semaphore(%run_scoped3A_129 : memref<!tpu.dma_semaphore, #tpu.memory_space<semaphore_mem>>) src(%dma_wait3A_143 : memref<128x128xf32, #tpu.memory_space<vmem>>) dst(%dma_wait3A_149 : memref<10240x128xf32, #tpu.memory_space<vmem_shared>>)
        tpu.yield
      }) : () -> ()
      %scan3A_128 = arith.constant 0 : i32
      scf.yield %scan3A_128 : i32
    }
    %scan3A_39 = arith.constant 40 : i32
    %barrier3A_40 = arith.constant 0 : index
    tpu.barrier barrier_id(%barrier3A_40)
    %mul3A_41 = arith.constant 640 : i32
    %mul3A_42 = arith.muli %arg1, %mul3A_41 : i32
    %mul3A_43 = arith.constant 640 : i32
    %mul3A_44 = arith.muli %arg1, %mul3A_43 : i32
    "tpu.region"() ({
      %run_scoped3A = tpu.sem_alloc : memref<!tpu.dma_semaphore, #tpu.memory_space<semaphore_mem>>
      %dma_start3A_45 = arith.constant 0 : i32
      %dma_start3A_46 = tpu.memref_slice %arg6[%arg0, %mul3A_44, %dma_start3A_45] : memref<2x10240x128xf32, #tpu.memory_space<hbm>> -> memref<1x640x128xf32, #tpu.memory_space<hbm>>
      %dma_start3A_47 = tpu.memref_squeeze %dma_start3A_46 : memref<1x640x128xf32, #tpu.memory_space<hbm>> -> memref<640x128xf32, #tpu.memory_space<hbm>>
      %dma_start3A_48 = arith.constant 0 : i32
      %dma_start3A_49 = tpu.memref_slice %arg10[%mul3A_42, %dma_start3A_48] : memref<10240x128xf32, #tpu.memory_space<vmem_shared>> -> memref<640x128xf32, #tpu.memory_space<vmem_shared>>
      tpu.enqueue_dma source(%dma_start3A_49 : memref<640x128xf32, #tpu.memory_space<vmem_shared>>) target(%dma_start3A_47 : memref<640x128xf32, #tpu.memory_space<hbm>>) target_semaphore(%run_scoped3A : memref<!tpu.dma_semaphore, #tpu.memory_space<semaphore_mem>>)
      %dma_wait3A = arith.constant 0 : i32
      %dma_wait3A_50 = tpu.memref_slice %arg6[%arg0, %mul3A_44, %dma_wait3A] : memref<2x10240x128xf32, #tpu.memory_space<hbm>> -> memref<1x640x128xf32, #tpu.memory_space<hbm>>
      %dma_wait3A_51 = tpu.memref_squeeze %dma_wait3A_50 : memref<1x640x128xf32, #tpu.memory_space<hbm>> -> memref<640x128xf32, #tpu.memory_space<hbm>>
      %dma_wait3A_52 = arith.constant 0 : i32
      %dma_wait3A_53 = tpu.memref_slice %arg10[%mul3A_42, %dma_wait3A_52] : memref<10240x128xf32, #tpu.memory_space<vmem_shared>> -> memref<640x128xf32, #tpu.memory_space<vmem_shared>>
      tpu.wait_dma2 semaphore(%run_scoped3A : memref<!tpu.dma_semaphore, #tpu.memory_space<semaphore_mem>>) src(%dma_wait3A_53 : memref<640x128xf32, #tpu.memory_space<vmem_shared>>) dst(%dma_wait3A_51 : memref<640x128xf32, #tpu.memory_space<hbm>>)
      tpu.yield
    }) : () -> ()
    return
  }
}

#map = affine_map<(d0, d1) -> (0, 0, 0)>
#map1 = affine_map<(d0, d1) -> (0, 0)>
module attributes {stable_mosaic.version = 14 : i64} {
  func.func @_deg_body(%arg0: i32, %arg1: i32, %arg2: memref<32x80x128xi32, #tpu.memory_space<hbm>>, %arg3: memref<10240x16xf32, #tpu.memory_space<hbm>>, %arg4: memref<2x10240x16xf32, #tpu.memory_space<hbm>>, %arg5: memref<80x128xi32, #tpu.memory_space<vmem>>, %arg6: memref<128x16xf32, #tpu.memory_space<vmem>>, %arg7: memref<10240x16xf32, #tpu.memory_space<vmem_shared>>, %arg8: memref<!tpu.dma_semaphore, #tpu.memory_space<semaphore_mem>>) attributes {dimension_semantics = [#tpu.dimension_semantics<core_parallel>, #tpu.dimension_semantics<subcore_parallel>], iteration_bounds = array<i64: 2, 16>, scalar_prefetch = 0 : i64, scratch_operands = 4 : i64, tpu.core_type = #tpu.core_type<sc_vector_subcore>, window_params = [{transform_indices = #map}, {transform_indices = #map1}, {transform_indices = #map}]} {
    %mul3A = arith.constant 16 : i32
    %mul3A_0 = arith.muli %arg0, %mul3A : i32
    %add3A = arith.addi %mul3A_0, %arg1 : i32
    %scan3A = arith.constant 0 : i32
    %scan3A_1 = arith.constant 0 : i32
    %scan3A_2 = arith.constant 128 : i32
    %scan3A_3 = arith.addi %scan3A_1, %scan3A_2 : i32
    %scan3A_4 = arith.constant 1 : i32
    %scan3A_5 = scf.for %scan3A_23 = %scan3A_1 to %scan3A_3 step %scan3A_4 iter_args(%scan3A_24 = %scan3A) -> (i32)  : i32 {
      %broadcast_in_dim3A = arith.constant 1.000000e+00 : f32
      %broadcast_in_dim3A_25 = vector.broadcast %broadcast_in_dim3A : f32 to vector<16xf32>
      %swap3A = arith.index_cast %scan3A_23 : i32 to index
      %swap3A_26 = arith.constant 0 : index
      %swap3A_27 = tpu.vector_load %arg6[%swap3A, %swap3A_26] {strides = array<i32>} : memref<128x16xf32, #tpu.memory_space<vmem>>, vector<1x16xf32>,
      %swap3A_28 = vector.shape_cast %swap3A_27 : vector<1x16xf32> to vector<16xf32>
      %swap3A_29 = vector.shape_cast %broadcast_in_dim3A_25 : vector<16xf32> to vector<1x16xf32>
      tpu.vector_store %arg6[%swap3A, %swap3A_26], %swap3A_29 {strides = array<i32>} : memref<128x16xf32, #tpu.memory_space<vmem>>, vector<1x16xf32>,
      %scan3A_30 = arith.constant 0 : i32
      scf.yield %scan3A_30 : i32
    }
    %scan3A_6 = arith.constant 128 : i32
    "tpu.region"() ({
      %run_scoped3A = tpu.sem_alloc : memref<!tpu.dma_semaphore, #tpu.memory_space<semaphore_mem>>
      %dma_start3A = arith.constant 0 : i32
      %dma_start3A_23 = arith.constant 0 : i32
      %dma_start3A_24 = tpu.memref_slice %arg2[%add3A, %dma_start3A, %dma_start3A_23] : memref<32x80x128xi32, #tpu.memory_space<hbm>> -> memref<1x80x128xi32, #tpu.memory_space<hbm>>
      %dma_start3A_25 = tpu.memref_squeeze %dma_start3A_24 : memref<1x80x128xi32, #tpu.memory_space<hbm>> -> memref<80x128xi32, #tpu.memory_space<hbm>>
      %dma_start3A_26 = arith.constant 0 : i32
      %dma_start3A_27 = arith.constant 0 : i32
      %dma_start3A_28 = tpu.memref_slice %arg2[%add3A, %dma_start3A_26, %dma_start3A_27] : memref<32x80x128xi32, #tpu.memory_space<hbm>> -> memref<1x80x128xi32, #tpu.memory_space<hbm>>
      %dma_start3A_29 = tpu.memref_squeeze %dma_start3A_28 : memref<1x80x128xi32, #tpu.memory_space<hbm>> -> memref<80x128xi32, #tpu.memory_space<hbm>>
      tpu.enqueue_dma source(%dma_start3A_29 : memref<80x128xi32, #tpu.memory_space<hbm>>) target(%arg5 : memref<80x128xi32, #tpu.memory_space<vmem>>) target_semaphore(%run_scoped3A : memref<!tpu.dma_semaphore, #tpu.memory_space<semaphore_mem>>)
      %dma_wait3A = arith.constant 0 : i32
      %dma_wait3A_30 = arith.constant 0 : i32
      %dma_wait3A_31 = tpu.memref_slice %arg2[%add3A, %dma_wait3A, %dma_wait3A_30] : memref<32x80x128xi32, #tpu.memory_space<hbm>> -> memref<1x80x128xi32, #tpu.memory_space<hbm>>
      %dma_wait3A_32 = tpu.memref_squeeze %dma_wait3A_31 : memref<1x80x128xi32, #tpu.memory_space<hbm>> -> memref<80x128xi32, #tpu.memory_space<hbm>>
      %dma_wait3A_33 = arith.constant 0 : i32
      %dma_wait3A_34 = arith.constant 0 : i32
      %dma_wait3A_35 = tpu.memref_slice %arg2[%add3A, %dma_wait3A_33, %dma_wait3A_34] : memref<32x80x128xi32, #tpu.memory_space<hbm>> -> memref<1x80x128xi32, #tpu.memory_space<hbm>>
      %dma_wait3A_36 = tpu.memref_squeeze %dma_wait3A_35 : memref<1x80x128xi32, #tpu.memory_space<hbm>> -> memref<80x128xi32, #tpu.memory_space<hbm>>
      tpu.wait_dma2 semaphore(%run_scoped3A : memref<!tpu.dma_semaphore, #tpu.memory_space<semaphore_mem>>) src(%dma_wait3A_36 : memref<80x128xi32, #tpu.memory_space<hbm>>) dst(%arg5 : memref<80x128xi32, #tpu.memory_space<vmem>>)
      tpu.yield
    }) : () -> ()
    %mul3A_7 = arith.constant 640 : i32
    %mul3A_8 = arith.muli %arg1, %mul3A_7 : i32
    %mul3A_9 = arith.constant 640 : i32
    %mul3A_10 = arith.muli %arg1, %mul3A_9 : i32
    "tpu.region"() ({
      %run_scoped3A = tpu.sem_alloc : memref<!tpu.dma_semaphore, #tpu.memory_space<semaphore_mem>>
      %dma_start3A = arith.constant 0 : i32
      %dma_start3A_23 = tpu.memref_slice %arg7[%mul3A_10, %dma_start3A] : memref<10240x16xf32, #tpu.memory_space<vmem_shared>> -> memref<640x16xf32, #tpu.memory_space<vmem_shared>>
      %dma_start3A_24 = arith.constant 0 : i32
      %dma_start3A_25 = tpu.memref_slice %arg3[%mul3A_8, %dma_start3A_24] : memref<10240x16xf32, #tpu.memory_space<hbm>> -> memref<640x16xf32, #tpu.memory_space<hbm>>
      tpu.enqueue_dma source(%dma_start3A_25 : memref<640x16xf32, #tpu.memory_space<hbm>>) target(%dma_start3A_23 : memref<640x16xf32, #tpu.memory_space<vmem_shared>>) target_semaphore(%run_scoped3A : memref<!tpu.dma_semaphore, #tpu.memory_space<semaphore_mem>>)
      %dma_wait3A = arith.constant 0 : i32
      %dma_wait3A_26 = tpu.memref_slice %arg7[%mul3A_10, %dma_wait3A] : memref<10240x16xf32, #tpu.memory_space<vmem_shared>> -> memref<640x16xf32, #tpu.memory_space<vmem_shared>>
      %dma_wait3A_27 = arith.constant 0 : i32
      %dma_wait3A_28 = tpu.memref_slice %arg3[%mul3A_8, %dma_wait3A_27] : memref<10240x16xf32, #tpu.memory_space<hbm>> -> memref<640x16xf32, #tpu.memory_space<hbm>>
      tpu.wait_dma2 semaphore(%run_scoped3A : memref<!tpu.dma_semaphore, #tpu.memory_space<semaphore_mem>>) src(%dma_wait3A_28 : memref<640x16xf32, #tpu.memory_space<hbm>>) dst(%dma_wait3A_26 : memref<640x16xf32, #tpu.memory_space<vmem_shared>>)
      tpu.yield
    }) : () -> ()
    %barrier3A = arith.constant 0 : index
    tpu.barrier barrier_id(%barrier3A)
    %scan3A_11 = arith.constant 0 : i32
    %scan3A_12 = arith.constant 0 : i32
    %scan3A_13 = arith.constant 10 : i32
    %scan3A_14 = arith.addi %scan3A_12, %scan3A_13 : i32
    %scan3A_15 = arith.constant 1 : i32
    %scan3A_16 = scf.for %scan3A_23 = %scan3A_12 to %scan3A_14 step %scan3A_15 iter_args(%scan3A_24 = %scan3A_11) -> (i32)  : i32 {
      %mul3A_25 = arith.constant 8 : i32
      %mul3A_26 = arith.muli %scan3A_23, %mul3A_25 : i32
      %add3A_27 = arith.constant 0 : i32
      %add3A_28 = arith.addi %mul3A_26, %add3A_27 : i32
      %dma_start3A = arith.constant 0 : i32
      %dma_start3A_29 = tpu.memref_slice %arg5[%add3A_28, %dma_start3A] : memref<80x128xi32, #tpu.memory_space<vmem>> -> memref<1x128xi32, #tpu.memory_space<vmem>>
      %dma_start3A_30 = tpu.memref_squeeze %dma_start3A_29 : memref<1x128xi32, #tpu.memory_space<vmem>> -> memref<128xi32, #tpu.memory_space<vmem>>
      %dma_start3A_31 = arith.constant 0 : i32
      %dma_start3A_32 = arith.constant 0 : i32
      %dma_start3A_33 = tpu.memref_slice %arg7[%dma_start3A_31, %dma_start3A_32] : memref<10240x16xf32, #tpu.memory_space<vmem_shared>> -> memref<10240x16xf32, #tpu.memory_space<vmem_shared>>
      tpu.enqueue_indirect_dma source(%arg6 : memref<128x16xf32, #tpu.memory_space<vmem>>) target(%dma_start3A_33 : memref<10240x16xf32, #tpu.memory_space<vmem_shared>>) offsets(%dma_start3A_30 : memref<128xi32, #tpu.memory_space<vmem>>) semaphore(%arg8 : memref<!tpu.dma_semaphore, #tpu.memory_space<semaphore_mem>>) {add = true}
      %mul3A_34 = arith.constant 8 : i32
      %mul3A_35 = arith.muli %scan3A_23, %mul3A_34 : i32
      %add3A_36 = arith.constant 1 : i32
      %add3A_37 = arith.addi %mul3A_35, %add3A_36 : i32
      %dma_start3A_38 = arith.constant 0 : i32
      %dma_start3A_39 = tpu.memref_slice %arg5[%add3A_37, %dma_start3A_38] : memref<80x128xi32, #tpu.memory_space<vmem>> -> memref<1x128xi32, #tpu.memory_space<vmem>>
      %dma_start3A_40 = tpu.memref_squeeze %dma_start3A_39 : memref<1x128xi32, #tpu.memory_space<vmem>> -> memref<128xi32, #tpu.memory_space<vmem>>
      %dma_start3A_41 = arith.constant 0 : i32
      %dma_start3A_42 = arith.constant 0 : i32
      %dma_start3A_43 = tpu.memref_slice %arg7[%dma_start3A_41, %dma_start3A_42] : memref<10240x16xf32, #tpu.memory_space<vmem_shared>> -> memref<10240x16xf32, #tpu.memory_space<vmem_shared>>
      tpu.enqueue_indirect_dma source(%arg6 : memref<128x16xf32, #tpu.memory_space<vmem>>) target(%dma_start3A_43 : memref<10240x16xf32, #tpu.memory_space<vmem_shared>>) offsets(%dma_start3A_40 : memref<128xi32, #tpu.memory_space<vmem>>) semaphore(%arg8 : memref<!tpu.dma_semaphore, #tpu.memory_space<semaphore_mem>>) {add = true}
      %mul3A_44 = arith.constant 8 : i32
      %mul3A_45 = arith.muli %scan3A_23, %mul3A_44 : i32
      %add3A_46 = arith.constant 2 : i32
      %add3A_47 = arith.addi %mul3A_45, %add3A_46 : i32
      %dma_start3A_48 = arith.constant 0 : i32
      %dma_start3A_49 = tpu.memref_slice %arg5[%add3A_47, %dma_start3A_48] : memref<80x128xi32, #tpu.memory_space<vmem>> -> memref<1x128xi32, #tpu.memory_space<vmem>>
      %dma_start3A_50 = tpu.memref_squeeze %dma_start3A_49 : memref<1x128xi32, #tpu.memory_space<vmem>> -> memref<128xi32, #tpu.memory_space<vmem>>
      %dma_start3A_51 = arith.constant 0 : i32
      %dma_start3A_52 = arith.constant 0 : i32
      %dma_start3A_53 = tpu.memref_slice %arg7[%dma_start3A_51, %dma_start3A_52] : memref<10240x16xf32, #tpu.memory_space<vmem_shared>> -> memref<10240x16xf32, #tpu.memory_space<vmem_shared>>
      tpu.enqueue_indirect_dma source(%arg6 : memref<128x16xf32, #tpu.memory_space<vmem>>) target(%dma_start3A_53 : memref<10240x16xf32, #tpu.memory_space<vmem_shared>>) offsets(%dma_start3A_50 : memref<128xi32, #tpu.memory_space<vmem>>) semaphore(%arg8 : memref<!tpu.dma_semaphore, #tpu.memory_space<semaphore_mem>>) {add = true}
      %mul3A_54 = arith.constant 8 : i32
      %mul3A_55 = arith.muli %scan3A_23, %mul3A_54 : i32
      %add3A_56 = arith.constant 3 : i32
      %add3A_57 = arith.addi %mul3A_55, %add3A_56 : i32
      %dma_start3A_58 = arith.constant 0 : i32
      %dma_start3A_59 = tpu.memref_slice %arg5[%add3A_57, %dma_start3A_58] : memref<80x128xi32, #tpu.memory_space<vmem>> -> memref<1x128xi32, #tpu.memory_space<vmem>>
      %dma_start3A_60 = tpu.memref_squeeze %dma_start3A_59 : memref<1x128xi32, #tpu.memory_space<vmem>> -> memref<128xi32, #tpu.memory_space<vmem>>
      %dma_start3A_61 = arith.constant 0 : i32
      %dma_start3A_62 = arith.constant 0 : i32
      %dma_start3A_63 = tpu.memref_slice %arg7[%dma_start3A_61, %dma_start3A_62] : memref<10240x16xf32, #tpu.memory_space<vmem_shared>> -> memref<10240x16xf32, #tpu.memory_space<vmem_shared>>
      tpu.enqueue_indirect_dma source(%arg6 : memref<128x16xf32, #tpu.memory_space<vmem>>) target(%dma_start3A_63 : memref<10240x16xf32, #tpu.memory_space<vmem_shared>>) offsets(%dma_start3A_60 : memref<128xi32, #tpu.memory_space<vmem>>) semaphore(%arg8 : memref<!tpu.dma_semaphore, #tpu.memory_space<semaphore_mem>>) {add = true}
      %mul3A_64 = arith.constant 8 : i32
      %mul3A_65 = arith.muli %scan3A_23, %mul3A_64 : i32
      %add3A_66 = arith.constant 4 : i32
      %add3A_67 = arith.addi %mul3A_65, %add3A_66 : i32
      %dma_start3A_68 = arith.constant 0 : i32
      %dma_start3A_69 = tpu.memref_slice %arg5[%add3A_67, %dma_start3A_68] : memref<80x128xi32, #tpu.memory_space<vmem>> -> memref<1x128xi32, #tpu.memory_space<vmem>>
      %dma_start3A_70 = tpu.memref_squeeze %dma_start3A_69 : memref<1x128xi32, #tpu.memory_space<vmem>> -> memref<128xi32, #tpu.memory_space<vmem>>
      %dma_start3A_71 = arith.constant 0 : i32
      %dma_start3A_72 = arith.constant 0 : i32
      %dma_start3A_73 = tpu.memref_slice %arg7[%dma_start3A_71, %dma_start3A_72] : memref<10240x16xf32, #tpu.memory_space<vmem_shared>> -> memref<10240x16xf32, #tpu.memory_space<vmem_shared>>
      tpu.enqueue_indirect_dma source(%arg6 : memref<128x16xf32, #tpu.memory_space<vmem>>) target(%dma_start3A_73 : memref<10240x16xf32, #tpu.memory_space<vmem_shared>>) offsets(%dma_start3A_70 : memref<128xi32, #tpu.memory_space<vmem>>) semaphore(%arg8 : memref<!tpu.dma_semaphore, #tpu.memory_space<semaphore_mem>>) {add = true}
      %mul3A_74 = arith.constant 8 : i32
      %mul3A_75 = arith.muli %scan3A_23, %mul3A_74 : i32
      %add3A_76 = arith.constant 5 : i32
      %add3A_77 = arith.addi %mul3A_75, %add3A_76 : i32
      %dma_start3A_78 = arith.constant 0 : i32
      %dma_start3A_79 = tpu.memref_slice %arg5[%add3A_77, %dma_start3A_78] : memref<80x128xi32, #tpu.memory_space<vmem>> -> memref<1x128xi32, #tpu.memory_space<vmem>>
      %dma_start3A_80 = tpu.memref_squeeze %dma_start3A_79 : memref<1x128xi32, #tpu.memory_space<vmem>> -> memref<128xi32, #tpu.memory_space<vmem>>
      %dma_start3A_81 = arith.constant 0 : i32
      %dma_start3A_82 = arith.constant 0 : i32
      %dma_start3A_83 = tpu.memref_slice %arg7[%dma_start3A_81, %dma_start3A_82] : memref<10240x16xf32, #tpu.memory_space<vmem_shared>> -> memref<10240x16xf32, #tpu.memory_space<vmem_shared>>
      tpu.enqueue_indirect_dma source(%arg6 : memref<128x16xf32, #tpu.memory_space<vmem>>) target(%dma_start3A_83 : memref<10240x16xf32, #tpu.memory_space<vmem_shared>>) offsets(%dma_start3A_80 : memref<128xi32, #tpu.memory_space<vmem>>) semaphore(%arg8 : memref<!tpu.dma_semaphore, #tpu.memory_space<semaphore_mem>>) {add = true}
      %mul3A_84 = arith.constant 8 : i32
      %mul3A_85 = arith.muli %scan3A_23, %mul3A_84 : i32
      %add3A_86 = arith.constant 6 : i32
      %add3A_87 = arith.addi %mul3A_85, %add3A_86 : i32
      %dma_start3A_88 = arith.constant 0 : i32
      %dma_start3A_89 = tpu.memref_slice %arg5[%add3A_87, %dma_start3A_88] : memref<80x128xi32, #tpu.memory_space<vmem>> -> memref<1x128xi32, #tpu.memory_space<vmem>>
      %dma_start3A_90 = tpu.memref_squeeze %dma_start3A_89 : memref<1x128xi32, #tpu.memory_space<vmem>> -> memref<128xi32, #tpu.memory_space<vmem>>
      %dma_start3A_91 = arith.constant 0 : i32
      %dma_start3A_92 = arith.constant 0 : i32
      %dma_start3A_93 = tpu.memref_slice %arg7[%dma_start3A_91, %dma_start3A_92] : memref<10240x16xf32, #tpu.memory_space<vmem_shared>> -> memref<10240x16xf32, #tpu.memory_space<vmem_shared>>
      tpu.enqueue_indirect_dma source(%arg6 : memref<128x16xf32, #tpu.memory_space<vmem>>) target(%dma_start3A_93 : memref<10240x16xf32, #tpu.memory_space<vmem_shared>>) offsets(%dma_start3A_90 : memref<128xi32, #tpu.memory_space<vmem>>) semaphore(%arg8 : memref<!tpu.dma_semaphore, #tpu.memory_space<semaphore_mem>>) {add = true}
      %mul3A_94 = arith.constant 8 : i32
      %mul3A_95 = arith.muli %scan3A_23, %mul3A_94 : i32
      %add3A_96 = arith.constant 7 : i32
      %add3A_97 = arith.addi %mul3A_95, %add3A_96 : i32
      %dma_start3A_98 = arith.constant 0 : i32
      %dma_start3A_99 = tpu.memref_slice %arg5[%add3A_97, %dma_start3A_98] : memref<80x128xi32, #tpu.memory_space<vmem>> -> memref<1x128xi32, #tpu.memory_space<vmem>>
      %dma_start3A_100 = tpu.memref_squeeze %dma_start3A_99 : memref<1x128xi32, #tpu.memory_space<vmem>> -> memref<128xi32, #tpu.memory_space<vmem>>
      %dma_start3A_101 = arith.constant 0 : i32
      %dma_start3A_102 = arith.constant 0 : i32
      %dma_start3A_103 = tpu.memref_slice %arg7[%dma_start3A_101, %dma_start3A_102] : memref<10240x16xf32, #tpu.memory_space<vmem_shared>> -> memref<10240x16xf32, #tpu.memory_space<vmem_shared>>
      tpu.enqueue_indirect_dma source(%arg6 : memref<128x16xf32, #tpu.memory_space<vmem>>) target(%dma_start3A_103 : memref<10240x16xf32, #tpu.memory_space<vmem_shared>>) offsets(%dma_start3A_100 : memref<128xi32, #tpu.memory_space<vmem>>) semaphore(%arg8 : memref<!tpu.dma_semaphore, #tpu.memory_space<semaphore_mem>>) {add = true}
      %mul3A_104 = arith.constant 8 : i32
      %mul3A_105 = arith.muli %scan3A_23, %mul3A_104 : i32
      %add3A_106 = arith.constant 0 : i32
      %add3A_107 = arith.addi %mul3A_105, %add3A_106 : i32
      %dma_wait3A = arith.constant 0 : i32
      %dma_wait3A_108 = tpu.memref_slice %arg5[%add3A_107, %dma_wait3A] : memref<80x128xi32, #tpu.memory_space<vmem>> -> memref<1x128xi32, #tpu.memory_space<vmem>>
      %dma_wait3A_109 = tpu.memref_squeeze %dma_wait3A_108 : memref<1x128xi32, #tpu.memory_space<vmem>> -> memref<128xi32, #tpu.memory_space<vmem>>
      %dma_wait3A_110 = arith.constant 0 : i32
      %dma_wait3A_111 = arith.constant 0 : i32
      %dma_wait3A_112 = tpu.memref_slice %arg7[%dma_wait3A_110, %dma_wait3A_111] : memref<10240x16xf32, #tpu.memory_space<vmem_shared>> -> memref<10240x16xf32, #tpu.memory_space<vmem_shared>>
      tpu.wait_indirect_dma semaphore(%arg8 : memref<!tpu.dma_semaphore, #tpu.memory_space<semaphore_mem>>) src(%arg6 : memref<128x16xf32, #tpu.memory_space<vmem>>) dst(%dma_wait3A_112 : memref<10240x16xf32, #tpu.memory_space<vmem_shared>>)
      %mul3A_113 = arith.constant 8 : i32
      %mul3A_114 = arith.muli %scan3A_23, %mul3A_113 : i32
      %add3A_115 = arith.constant 1 : i32
      %add3A_116 = arith.addi %mul3A_114, %add3A_115 : i32
      %dma_wait3A_117 = arith.constant 0 : i32
      %dma_wait3A_118 = tpu.memref_slice %arg5[%add3A_116, %dma_wait3A_117] : memref<80x128xi32, #tpu.memory_space<vmem>> -> memref<1x128xi32, #tpu.memory_space<vmem>>
      %dma_wait3A_119 = tpu.memref_squeeze %dma_wait3A_118 : memref<1x128xi32, #tpu.memory_space<vmem>> -> memref<128xi32, #tpu.memory_space<vmem>>
      %dma_wait3A_120 = arith.constant 0 : i32
      %dma_wait3A_121 = arith.constant 0 : i32
      %dma_wait3A_122 = tpu.memref_slice %arg7[%dma_wait3A_120, %dma_wait3A_121] : memref<10240x16xf32, #tpu.memory_space<vmem_shared>> -> memref<10240x16xf32, #tpu.memory_space<vmem_shared>>
      tpu.wait_indirect_dma semaphore(%arg8 : memref<!tpu.dma_semaphore, #tpu.memory_space<semaphore_mem>>) src(%arg6 : memref<128x16xf32, #tpu.memory_space<vmem>>) dst(%dma_wait3A_122 : memref<10240x16xf32, #tpu.memory_space<vmem_shared>>)
      %mul3A_123 = arith.constant 8 : i32
      %mul3A_124 = arith.muli %scan3A_23, %mul3A_123 : i32
      %add3A_125 = arith.constant 2 : i32
      %add3A_126 = arith.addi %mul3A_124, %add3A_125 : i32
      %dma_wait3A_127 = arith.constant 0 : i32
      %dma_wait3A_128 = tpu.memref_slice %arg5[%add3A_126, %dma_wait3A_127] : memref<80x128xi32, #tpu.memory_space<vmem>> -> memref<1x128xi32, #tpu.memory_space<vmem>>
      %dma_wait3A_129 = tpu.memref_squeeze %dma_wait3A_128 : memref<1x128xi32, #tpu.memory_space<vmem>> -> memref<128xi32, #tpu.memory_space<vmem>>
      %dma_wait3A_130 = arith.constant 0 : i32
      %dma_wait3A_131 = arith.constant 0 : i32
      %dma_wait3A_132 = tpu.memref_slice %arg7[%dma_wait3A_130, %dma_wait3A_131] : memref<10240x16xf32, #tpu.memory_space<vmem_shared>> -> memref<10240x16xf32, #tpu.memory_space<vmem_shared>>
      tpu.wait_indirect_dma semaphore(%arg8 : memref<!tpu.dma_semaphore, #tpu.memory_space<semaphore_mem>>) src(%arg6 : memref<128x16xf32, #tpu.memory_space<vmem>>) dst(%dma_wait3A_132 : memref<10240x16xf32, #tpu.memory_space<vmem_shared>>)
      %mul3A_133 = arith.constant 8 : i32
      %mul3A_134 = arith.muli %scan3A_23, %mul3A_133 : i32
      %add3A_135 = arith.constant 3 : i32
      %add3A_136 = arith.addi %mul3A_134, %add3A_135 : i32
      %dma_wait3A_137 = arith.constant 0 : i32
      %dma_wait3A_138 = tpu.memref_slice %arg5[%add3A_136, %dma_wait3A_137] : memref<80x128xi32, #tpu.memory_space<vmem>> -> memref<1x128xi32, #tpu.memory_space<vmem>>
      %dma_wait3A_139 = tpu.memref_squeeze %dma_wait3A_138 : memref<1x128xi32, #tpu.memory_space<vmem>> -> memref<128xi32, #tpu.memory_space<vmem>>
      %dma_wait3A_140 = arith.constant 0 : i32
      %dma_wait3A_141 = arith.constant 0 : i32
      %dma_wait3A_142 = tpu.memref_slice %arg7[%dma_wait3A_140, %dma_wait3A_141] : memref<10240x16xf32, #tpu.memory_space<vmem_shared>> -> memref<10240x16xf32, #tpu.memory_space<vmem_shared>>
      tpu.wait_indirect_dma semaphore(%arg8 : memref<!tpu.dma_semaphore, #tpu.memory_space<semaphore_mem>>) src(%arg6 : memref<128x16xf32, #tpu.memory_space<vmem>>) dst(%dma_wait3A_142 : memref<10240x16xf32, #tpu.memory_space<vmem_shared>>)
      %mul3A_143 = arith.constant 8 : i32
      %mul3A_144 = arith.muli %scan3A_23, %mul3A_143 : i32
      %add3A_145 = arith.constant 4 : i32
      %add3A_146 = arith.addi %mul3A_144, %add3A_145 : i32
      %dma_wait3A_147 = arith.constant 0 : i32
      %dma_wait3A_148 = tpu.memref_slice %arg5[%add3A_146, %dma_wait3A_147] : memref<80x128xi32, #tpu.memory_space<vmem>> -> memref<1x128xi32, #tpu.memory_space<vmem>>
      %dma_wait3A_149 = tpu.memref_squeeze %dma_wait3A_148 : memref<1x128xi32, #tpu.memory_space<vmem>> -> memref<128xi32, #tpu.memory_space<vmem>>
      %dma_wait3A_150 = arith.constant 0 : i32
      %dma_wait3A_151 = arith.constant 0 : i32
      %dma_wait3A_152 = tpu.memref_slice %arg7[%dma_wait3A_150, %dma_wait3A_151] : memref<10240x16xf32, #tpu.memory_space<vmem_shared>> -> memref<10240x16xf32, #tpu.memory_space<vmem_shared>>
      tpu.wait_indirect_dma semaphore(%arg8 : memref<!tpu.dma_semaphore, #tpu.memory_space<semaphore_mem>>) src(%arg6 : memref<128x16xf32, #tpu.memory_space<vmem>>) dst(%dma_wait3A_152 : memref<10240x16xf32, #tpu.memory_space<vmem_shared>>)
      %mul3A_153 = arith.constant 8 : i32
      %mul3A_154 = arith.muli %scan3A_23, %mul3A_153 : i32
      %add3A_155 = arith.constant 5 : i32
      %add3A_156 = arith.addi %mul3A_154, %add3A_155 : i32
      %dma_wait3A_157 = arith.constant 0 : i32
      %dma_wait3A_158 = tpu.memref_slice %arg5[%add3A_156, %dma_wait3A_157] : memref<80x128xi32, #tpu.memory_space<vmem>> -> memref<1x128xi32, #tpu.memory_space<vmem>>
      %dma_wait3A_159 = tpu.memref_squeeze %dma_wait3A_158 : memref<1x128xi32, #tpu.memory_space<vmem>> -> memref<128xi32, #tpu.memory_space<vmem>>
      %dma_wait3A_160 = arith.constant 0 : i32
      %dma_wait3A_161 = arith.constant 0 : i32
      %dma_wait3A_162 = tpu.memref_slice %arg7[%dma_wait3A_160, %dma_wait3A_161] : memref<10240x16xf32, #tpu.memory_space<vmem_shared>> -> memref<10240x16xf32, #tpu.memory_space<vmem_shared>>
      tpu.wait_indirect_dma semaphore(%arg8 : memref<!tpu.dma_semaphore, #tpu.memory_space<semaphore_mem>>) src(%arg6 : memref<128x16xf32, #tpu.memory_space<vmem>>) dst(%dma_wait3A_162 : memref<10240x16xf32, #tpu.memory_space<vmem_shared>>)
      %mul3A_163 = arith.constant 8 : i32
      %mul3A_164 = arith.muli %scan3A_23, %mul3A_163 : i32
      %add3A_165 = arith.constant 6 : i32
      %add3A_166 = arith.addi %mul3A_164, %add3A_165 : i32
      %dma_wait3A_167 = arith.constant 0 : i32
      %dma_wait3A_168 = tpu.memref_slice %arg5[%add3A_166, %dma_wait3A_167] : memref<80x128xi32, #tpu.memory_space<vmem>> -> memref<1x128xi32, #tpu.memory_space<vmem>>
      %dma_wait3A_169 = tpu.memref_squeeze %dma_wait3A_168 : memref<1x128xi32, #tpu.memory_space<vmem>> -> memref<128xi32, #tpu.memory_space<vmem>>
      %dma_wait3A_170 = arith.constant 0 : i32
      %dma_wait3A_171 = arith.constant 0 : i32
      %dma_wait3A_172 = tpu.memref_slice %arg7[%dma_wait3A_170, %dma_wait3A_171] : memref<10240x16xf32, #tpu.memory_space<vmem_shared>> -> memref<10240x16xf32, #tpu.memory_space<vmem_shared>>
      tpu.wait_indirect_dma semaphore(%arg8 : memref<!tpu.dma_semaphore, #tpu.memory_space<semaphore_mem>>) src(%arg6 : memref<128x16xf32, #tpu.memory_space<vmem>>) dst(%dma_wait3A_172 : memref<10240x16xf32, #tpu.memory_space<vmem_shared>>)
      %mul3A_173 = arith.constant 8 : i32
      %mul3A_174 = arith.muli %scan3A_23, %mul3A_173 : i32
      %add3A_175 = arith.constant 7 : i32
      %add3A_176 = arith.addi %mul3A_174, %add3A_175 : i32
      %dma_wait3A_177 = arith.constant 0 : i32
      %dma_wait3A_178 = tpu.memref_slice %arg5[%add3A_176, %dma_wait3A_177] : memref<80x128xi32, #tpu.memory_space<vmem>> -> memref<1x128xi32, #tpu.memory_space<vmem>>
      %dma_wait3A_179 = tpu.memref_squeeze %dma_wait3A_178 : memref<1x128xi32, #tpu.memory_space<vmem>> -> memref<128xi32, #tpu.memory_space<vmem>>
      %dma_wait3A_180 = arith.constant 0 : i32
      %dma_wait3A_181 = arith.constant 0 : i32
      %dma_wait3A_182 = tpu.memref_slice %arg7[%dma_wait3A_180, %dma_wait3A_181] : memref<10240x16xf32, #tpu.memory_space<vmem_shared>> -> memref<10240x16xf32, #tpu.memory_space<vmem_shared>>
      tpu.wait_indirect_dma semaphore(%arg8 : memref<!tpu.dma_semaphore, #tpu.memory_space<semaphore_mem>>) src(%arg6 : memref<128x16xf32, #tpu.memory_space<vmem>>) dst(%dma_wait3A_182 : memref<10240x16xf32, #tpu.memory_space<vmem_shared>>)
      %scan3A_183 = arith.constant 0 : i32
      scf.yield %scan3A_183 : i32
    }
    %scan3A_17 = arith.constant 10 : i32
    %barrier3A_18 = arith.constant 0 : index
    tpu.barrier barrier_id(%barrier3A_18)
    %mul3A_19 = arith.constant 640 : i32
    %mul3A_20 = arith.muli %arg1, %mul3A_19 : i32
    %mul3A_21 = arith.constant 640 : i32
    %mul3A_22 = arith.muli %arg1, %mul3A_21 : i32
    "tpu.region"() ({
      %run_scoped3A = tpu.sem_alloc : memref<!tpu.dma_semaphore, #tpu.memory_space<semaphore_mem>>
      %dma_start3A = arith.constant 0 : i32
      %dma_start3A_23 = tpu.memref_slice %arg4[%arg0, %mul3A_22, %dma_start3A] : memref<2x10240x16xf32, #tpu.memory_space<hbm>> -> memref<1x640x16xf32, #tpu.memory_space<hbm>>
      %dma_start3A_24 = tpu.memref_squeeze %dma_start3A_23 : memref<1x640x16xf32, #tpu.memory_space<hbm>> -> memref<640x16xf32, #tpu.memory_space<hbm>>
      %dma_start3A_25 = arith.constant 0 : i32
      %dma_start3A_26 = tpu.memref_slice %arg7[%mul3A_20, %dma_start3A_25] : memref<10240x16xf32, #tpu.memory_space<vmem_shared>> -> memref<640x16xf32, #tpu.memory_space<vmem_shared>>
      tpu.enqueue_dma source(%dma_start3A_26 : memref<640x16xf32, #tpu.memory_space<vmem_shared>>) target(%dma_start3A_24 : memref<640x16xf32, #tpu.memory_space<hbm>>) target_semaphore(%run_scoped3A : memref<!tpu.dma_semaphore, #tpu.memory_space<semaphore_mem>>)
      %dma_wait3A = arith.constant 0 : i32
      %dma_wait3A_27 = tpu.memref_slice %arg4[%arg0, %mul3A_22, %dma_wait3A] : memref<2x10240x16xf32, #tpu.memory_space<hbm>> -> memref<1x640x16xf32, #tpu.memory_space<hbm>>
      %dma_wait3A_28 = tpu.memref_squeeze %dma_wait3A_27 : memref<1x640x16xf32, #tpu.memory_space<hbm>> -> memref<640x16xf32, #tpu.memory_space<hbm>>
      %dma_wait3A_29 = arith.constant 0 : i32
      %dma_wait3A_30 = tpu.memref_slice %arg7[%mul3A_20, %dma_wait3A_29] : memref<10240x16xf32, #tpu.memory_space<vmem_shared>> -> memref<640x16xf32, #tpu.memory_space<vmem_shared>>
      tpu.wait_dma2 semaphore(%run_scoped3A : memref<!tpu.dma_semaphore, #tpu.memory_space<semaphore_mem>>) src(%dma_wait3A_30 : memref<640x16xf32, #tpu.memory_space<vmem_shared>>) dst(%dma_wait3A_28 : memref<640x16xf32, #tpu.memory_space<hbm>>)
      tpu.yield
    }) : () -> ()
    return
  }
}

#map = affine_map<(d0, d1) -> (0, 0)>
#map1 = affine_map<(d0, d1) -> (0, 0, 0)>
module attributes {stable_mosaic.version = 14 : i64} {
  func.func @_edge_body(%arg0: i32, %arg1: i32, %arg2: memref<10240x128xf32, #tpu.memory_space<hbm>>, %arg3: memref<32x10240xi32, #tpu.memory_space<hbm>>, %arg4: memref<32x80x128xi32, #tpu.memory_space<hbm>>, %arg5: memref<10240x128xf32, #tpu.memory_space<hbm>>, %arg6: memref<2x10240x128xf32, #tpu.memory_space<hbm>>, %arg7: memref<10240xi32, #tpu.memory_space<vmem>>, %arg8: memref<2x128xi32, #tpu.memory_space<vmem>>, %arg9: memref<2x128x128xf32, #tpu.memory_space<vmem>>, %arg10: memref<10240x128xf32, #tpu.memory_space<vmem_shared>>, %arg11: memref<2x!tpu.dma_semaphore, #tpu.memory_space<semaphore_mem>>, %arg12: memref<2x!tpu.dma_semaphore, #tpu.memory_space<semaphore_mem>>) attributes {dimension_semantics = [#tpu.dimension_semantics<core_parallel>, #tpu.dimension_semantics<subcore_parallel>], iteration_bounds = array<i64: 2, 16>, scalar_prefetch = 0 : i64, scratch_operands = 6 : i64, tpu.core_type = #tpu.core_type<sc_vector_subcore>, window_params = [{transform_indices = #map}, {transform_indices = #map}, {transform_indices = #map1}, {transform_indices = #map}, {transform_indices = #map1}]} {
    %mul3A = arith.constant 16 : i32
    %mul3A_0 = arith.muli %arg0, %mul3A : i32
    %add3A = arith.addi %mul3A_0, %arg1 : i32
    "tpu.region"() ({
      %run_scoped3A = tpu.sem_alloc : memref<!tpu.dma_semaphore, #tpu.memory_space<semaphore_mem>>
      %dma_start3A_45 = arith.constant 0 : i32
      %dma_start3A_46 = tpu.memref_slice %arg3[%add3A, %dma_start3A_45] : memref<32x10240xi32, #tpu.memory_space<hbm>> -> memref<1x10240xi32, #tpu.memory_space<hbm>>
      %dma_start3A_47 = tpu.memref_squeeze %dma_start3A_46 : memref<1x10240xi32, #tpu.memory_space<hbm>> -> memref<10240xi32, #tpu.memory_space<hbm>>
      %dma_start3A_48 = arith.constant 0 : i32
      %dma_start3A_49 = tpu.memref_slice %arg3[%add3A, %dma_start3A_48] : memref<32x10240xi32, #tpu.memory_space<hbm>> -> memref<1x10240xi32, #tpu.memory_space<hbm>>
      %dma_start3A_50 = tpu.memref_squeeze %dma_start3A_49 : memref<1x10240xi32, #tpu.memory_space<hbm>> -> memref<10240xi32, #tpu.memory_space<hbm>>
      tpu.enqueue_dma source(%dma_start3A_50 : memref<10240xi32, #tpu.memory_space<hbm>>) target(%arg7 : memref<10240xi32, #tpu.memory_space<vmem>>) target_semaphore(%run_scoped3A : memref<!tpu.dma_semaphore, #tpu.memory_space<semaphore_mem>>)
      %dma_wait3A = arith.constant 0 : i32
      %dma_wait3A_51 = tpu.memref_slice %arg3[%add3A, %dma_wait3A] : memref<32x10240xi32, #tpu.memory_space<hbm>> -> memref<1x10240xi32, #tpu.memory_space<hbm>>
      %dma_wait3A_52 = tpu.memref_squeeze %dma_wait3A_51 : memref<1x10240xi32, #tpu.memory_space<hbm>> -> memref<10240xi32, #tpu.memory_space<hbm>>
      %dma_wait3A_53 = arith.constant 0 : i32
      %dma_wait3A_54 = tpu.memref_slice %arg3[%add3A, %dma_wait3A_53] : memref<32x10240xi32, #tpu.memory_space<hbm>> -> memref<1x10240xi32, #tpu.memory_space<hbm>>
      %dma_wait3A_55 = tpu.memref_squeeze %dma_wait3A_54 : memref<1x10240xi32, #tpu.memory_space<hbm>> -> memref<10240xi32, #tpu.memory_space<hbm>>
      tpu.wait_dma2 semaphore(%run_scoped3A : memref<!tpu.dma_semaphore, #tpu.memory_space<semaphore_mem>>) src(%dma_wait3A_55 : memref<10240xi32, #tpu.memory_space<hbm>>) dst(%arg7 : memref<10240xi32, #tpu.memory_space<vmem>>)
      tpu.yield
    }) : () -> ()
    %mul3A_1 = arith.constant 640 : i32
    %mul3A_2 = arith.muli %arg1, %mul3A_1 : i32
    %mul3A_3 = arith.constant 640 : i32
    %mul3A_4 = arith.muli %arg1, %mul3A_3 : i32
    "tpu.region"() ({
      %run_scoped3A = tpu.sem_alloc : memref<!tpu.dma_semaphore, #tpu.memory_space<semaphore_mem>>
      %dma_start3A_45 = arith.constant 0 : i32
      %dma_start3A_46 = tpu.memref_slice %arg10[%mul3A_4, %dma_start3A_45] : memref<10240x128xf32, #tpu.memory_space<vmem_shared>> -> memref<640x128xf32, #tpu.memory_space<vmem_shared>>
      %dma_start3A_47 = arith.constant 0 : i32
      %dma_start3A_48 = tpu.memref_slice %arg5[%mul3A_2, %dma_start3A_47] : memref<10240x128xf32, #tpu.memory_space<hbm>> -> memref<640x128xf32, #tpu.memory_space<hbm>>
      tpu.enqueue_dma source(%dma_start3A_48 : memref<640x128xf32, #tpu.memory_space<hbm>>) target(%dma_start3A_46 : memref<640x128xf32, #tpu.memory_space<vmem_shared>>) target_semaphore(%run_scoped3A : memref<!tpu.dma_semaphore, #tpu.memory_space<semaphore_mem>>)
      %dma_wait3A = arith.constant 0 : i32
      %dma_wait3A_49 = tpu.memref_slice %arg10[%mul3A_4, %dma_wait3A] : memref<10240x128xf32, #tpu.memory_space<vmem_shared>> -> memref<640x128xf32, #tpu.memory_space<vmem_shared>>
      %dma_wait3A_50 = arith.constant 0 : i32
      %dma_wait3A_51 = tpu.memref_slice %arg5[%mul3A_2, %dma_wait3A_50] : memref<10240x128xf32, #tpu.memory_space<hbm>> -> memref<640x128xf32, #tpu.memory_space<hbm>>
      tpu.wait_dma2 semaphore(%run_scoped3A : memref<!tpu.dma_semaphore, #tpu.memory_space<semaphore_mem>>) src(%dma_wait3A_51 : memref<640x128xf32, #tpu.memory_space<hbm>>) dst(%dma_wait3A_49 : memref<640x128xf32, #tpu.memory_space<vmem_shared>>)
      tpu.yield
    }) : () -> ()
    %barrier3A = arith.constant 0 : index
    tpu.barrier barrier_id(%barrier3A)
    %dma_start3A = arith.constant 0 : i32
    %dma_start3A_5 = arith.constant 0 : i32
    %dma_start3A_6 = arith.constant 0 : i32
    %dma_start3A_7 = arith.constant 0 : i32
    %dma_start3A_8 = tpu.memref_slice %arg9[%dma_start3A, %dma_start3A_6, %dma_start3A_7] : memref<2x128x128xf32, #tpu.memory_space<vmem>> -> memref<1x128x128xf32, #tpu.memory_space<vmem>>
    %dma_start3A_9 = tpu.memref_squeeze %dma_start3A_8 : memref<1x128x128xf32, #tpu.memory_space<vmem>> -> memref<128x128xf32, #tpu.memory_space<vmem>>
    %dma_start3A_10 = arith.constant 0 : i32
    %dma_start3A_11 = tpu.memref_slice %arg7[%dma_start3A_10] : memref<10240xi32, #tpu.memory_space<vmem>> -> memref<128xi32, #tpu.memory_space<vmem>>
    %dma_start3A_12 = arith.constant 0 : i32
    %dma_start3A_13 = arith.constant 0 : i32
    %dma_start3A_14 = tpu.memref_slice %arg2[%dma_start3A_12, %dma_start3A_13] : memref<10240x128xf32, #tpu.memory_space<hbm>> -> memref<10240x128xf32, #tpu.memory_space<hbm>>
    %dma_start3A_15 = tpu.memref_slice %arg11[%dma_start3A_5] : memref<2x!tpu.dma_semaphore, #tpu.memory_space<semaphore_mem>> -> memref<1x!tpu.dma_semaphore, #tpu.memory_space<semaphore_mem>>
    %dma_start3A_16 = tpu.memref_squeeze %dma_start3A_15 : memref<1x!tpu.dma_semaphore, #tpu.memory_space<semaphore_mem>> -> memref<!tpu.dma_semaphore, #tpu.memory_space<semaphore_mem>>
    tpu.enqueue_indirect_dma source(%dma_start3A_14 : memref<10240x128xf32, #tpu.memory_space<hbm>>) target(%dma_start3A_9 : memref<128x128xf32, #tpu.memory_space<vmem>>) offsets(%dma_start3A_11 : memref<128xi32, #tpu.memory_space<vmem>>) semaphore(%dma_start3A_16 : memref<!tpu.dma_semaphore, #tpu.memory_space<semaphore_mem>>)
    %dma_start3A_17 = arith.constant 0 : i32
    %dma_start3A_18 = arith.constant 0 : i32
    %dma_start3A_19 = arith.constant 0 : i32
    %dma_start3A_20 = arith.constant 0 : i32
    %dma_start3A_21 = tpu.memref_slice %arg8[%dma_start3A_18, %dma_start3A_20] : memref<2x128xi32, #tpu.memory_space<vmem>> -> memref<1x128xi32, #tpu.memory_space<vmem>>
    %dma_start3A_22 = tpu.memref_squeeze %dma_start3A_21 : memref<1x128xi32, #tpu.memory_space<vmem>> -> memref<128xi32, #tpu.memory_space<vmem>>
    %dma_start3A_23 = arith.constant 0 : i32
    %dma_start3A_24 = tpu.memref_slice %arg4[%add3A, %dma_start3A_17, %dma_start3A_23] : memref<32x80x128xi32, #tpu.memory_space<hbm>> -> memref<1x1x128xi32, #tpu.memory_space<hbm>>
    %dma_start3A_25 = tpu.memref_squeeze %dma_start3A_24 : memref<1x1x128xi32, #tpu.memory_space<hbm>> -> memref<128xi32, #tpu.memory_space<hbm>>
    %dma_start3A_26 = tpu.memref_slice %arg12[%dma_start3A_19] : memref<2x!tpu.dma_semaphore, #tpu.memory_space<semaphore_mem>> -> memref<1x!tpu.dma_semaphore, #tpu.memory_space<semaphore_mem>>
    %dma_start3A_27 = tpu.memref_squeeze %dma_start3A_26 : memref<1x!tpu.dma_semaphore, #tpu.memory_space<semaphore_mem>> -> memref<!tpu.dma_semaphore, #tpu.memory_space<semaphore_mem>>
    %dma_start3A_28 = arith.constant 0 : i32
    %dma_start3A_29 = tpu.memref_slice %arg8[%dma_start3A_18, %dma_start3A_28] : memref<2x128xi32, #tpu.memory_space<vmem>> -> memref<1x128xi32, #tpu.memory_space<vmem>>
    %dma_start3A_30 = tpu.memref_squeeze %dma_start3A_29 : memref<1x128xi32, #tpu.memory_space<vmem>> -> memref<128xi32, #tpu.memory_space<vmem>>
    %dma_start3A_31 = arith.constant 0 : i32
    %dma_start3A_32 = tpu.memref_slice %arg4[%add3A, %dma_start3A_17, %dma_start3A_31] : memref<32x80x128xi32, #tpu.memory_space<hbm>> -> memref<1x1x128xi32, #tpu.memory_space<hbm>>
    %dma_start3A_33 = tpu.memref_squeeze %dma_start3A_32 : memref<1x1x128xi32, #tpu.memory_space<hbm>> -> memref<128xi32, #tpu.memory_space<hbm>>
    tpu.enqueue_dma source(%dma_start3A_33 : memref<128xi32, #tpu.memory_space<hbm>>) target(%dma_start3A_30 : memref<128xi32, #tpu.memory_space<vmem>>) target_semaphore(%dma_start3A_27 : memref<!tpu.dma_semaphore, #tpu.memory_space<semaphore_mem>>)
    %scan3A = arith.constant 0 : i32
    %scan3A_34 = arith.constant 0 : i32
    %scan3A_35 = arith.constant 40 : i32
    %scan3A_36 = arith.addi %scan3A_34, %scan3A_35 : i32
    %scan3A_37 = arith.constant 1 : i32
    %scan3A_38 = scf.for %scan3A_45 = %scan3A_34 to %scan3A_36 step %scan3A_37 iter_args(%scan3A_46 = %scan3A) -> (i32)  : i32 {
      %mul3A_47 = arith.constant 2 : i32
      %mul3A_48 = arith.muli %scan3A_45, %mul3A_47 : i32
      %add3A_49 = arith.constant 0 : i32
      %add3A_50 = arith.addi %mul3A_48, %add3A_49 : i32
      %add3A_51 = arith.constant 1 : i32
      %add3A_52 = arith.addi %add3A_50, %add3A_51 : i32
      %lt3A = arith.constant 80 : i32
      %lt3A_53 = arith.cmpi slt, %add3A_52, %lt3A : i32
      %convert_element_type3A = arith.extui %lt3A_53 : i1 to i32
      %cond3A = arith.constant 0 : i32
      %cond3A_54 = arith.cmpi ne, %convert_element_type3A, %cond3A : i32
      scf.if %cond3A_54 {
        %add3A_129 = arith.constant 1 : i32
        %add3A_130 = arith.addi %add3A_50, %add3A_129 : i32
        %mul3A_131 = arith.constant 128 : i32
        %mul3A_132 = arith.muli %add3A_130, %mul3A_131 : i32
        %dma_start3A_133 = arith.constant 1 : i32
        %dma_start3A_134 = arith.constant 1 : i32
        %dma_start3A_135 = arith.constant 0 : i32
        %dma_start3A_136 = arith.constant 0 : i32
        %dma_start3A_137 = tpu.memref_slice %arg9[%dma_start3A_133, %dma_start3A_135, %dma_start3A_136] : memref<2x128x128xf32, #tpu.memory_space<vmem>> -> memref<1x128x128xf32, #tpu.memory_space<vmem>>
        %dma_start3A_138 = tpu.memref_squeeze %dma_start3A_137 : memref<1x128x128xf32, #tpu.memory_space<vmem>> -> memref<128x128xf32, #tpu.memory_space<vmem>>
        %dma_start3A_139 = tpu.memref_slice %arg7[%mul3A_132] : memref<10240xi32, #tpu.memory_space<vmem>> -> memref<128xi32, #tpu.memory_space<vmem>>
        %dma_start3A_140 = arith.constant 0 : i32
        %dma_start3A_141 = arith.constant 0 : i32
        %dma_start3A_142 = tpu.memref_slice %arg2[%dma_start3A_140, %dma_start3A_141] : memref<10240x128xf32, #tpu.memory_space<hbm>> -> memref<10240x128xf32, #tpu.memory_space<hbm>>
        %dma_start3A_143 = tpu.memref_slice %arg11[%dma_start3A_134] : memref<2x!tpu.dma_semaphore, #tpu.memory_space<semaphore_mem>> -> memref<1x!tpu.dma_semaphore, #tpu.memory_space<semaphore_mem>>
        %dma_start3A_144 = tpu.memref_squeeze %dma_start3A_143 : memref<1x!tpu.dma_semaphore, #tpu.memory_space<semaphore_mem>> -> memref<!tpu.dma_semaphore, #tpu.memory_space<semaphore_mem>>
        tpu.enqueue_indirect_dma source(%dma_start3A_142 : memref<10240x128xf32, #tpu.memory_space<hbm>>) target(%dma_start3A_138 : memref<128x128xf32, #tpu.memory_space<vmem>>) offsets(%dma_start3A_139 : memref<128xi32, #tpu.memory_space<vmem>>) semaphore(%dma_start3A_144 : memref<!tpu.dma_semaphore, #tpu.memory_space<semaphore_mem>>)
        %dma_start3A_145 = arith.constant 1 : i32
        %dma_start3A_146 = arith.constant 1 : i32
        %dma_start3A_147 = arith.constant 0 : i32
        %dma_start3A_148 = tpu.memref_slice %arg8[%dma_start3A_145, %dma_start3A_147] : memref<2x128xi32, #tpu.memory_space<vmem>> -> memref<1x128xi32, #tpu.memory_space<vmem>>
        %dma_start3A_149 = tpu.memref_squeeze %dma_start3A_148 : memref<1x128xi32, #tpu.memory_space<vmem>> -> memref<128xi32, #tpu.memory_space<vmem>>
        %dma_start3A_150 = arith.constant 0 : i32
        %dma_start3A_151 = tpu.memref_slice %arg4[%add3A, %add3A_130, %dma_start3A_150] : memref<32x80x128xi32, #tpu.memory_space<hbm>> -> memref<1x1x128xi32, #tpu.memory_space<hbm>>
        %dma_start3A_152 = tpu.memref_squeeze %dma_start3A_151 : memref<1x1x128xi32, #tpu.memory_space<hbm>> -> memref<128xi32, #tpu.memory_space<hbm>>
        %dma_start3A_153 = tpu.memref_slice %arg12[%dma_start3A_146] : memref<2x!tpu.dma_semaphore, #tpu.memory_space<semaphore_mem>> -> memref<1x!tpu.dma_semaphore, #tpu.memory_space<semaphore_mem>>
        %dma_start3A_154 = tpu.memref_squeeze %dma_start3A_153 : memref<1x!tpu.dma_semaphore, #tpu.memory_space<semaphore_mem>> -> memref<!tpu.dma_semaphore, #tpu.memory_space<semaphore_mem>>
        %dma_start3A_155 = arith.constant 0 : i32
        %dma_start3A_156 = tpu.memref_slice %arg8[%dma_start3A_145, %dma_start3A_155] : memref<2x128xi32, #tpu.memory_space<vmem>> -> memref<1x128xi32, #tpu.memory_space<vmem>>
        %dma_start3A_157 = tpu.memref_squeeze %dma_start3A_156 : memref<1x128xi32, #tpu.memory_space<vmem>> -> memref<128xi32, #tpu.memory_space<vmem>>
        %dma_start3A_158 = arith.constant 0 : i32
        %dma_start3A_159 = tpu.memref_slice %arg4[%add3A, %add3A_130, %dma_start3A_158] : memref<32x80x128xi32, #tpu.memory_space<hbm>> -> memref<1x1x128xi32, #tpu.memory_space<hbm>>
        %dma_start3A_160 = tpu.memref_squeeze %dma_start3A_159 : memref<1x1x128xi32, #tpu.memory_space<hbm>> -> memref<128xi32, #tpu.memory_space<hbm>>
        tpu.enqueue_dma source(%dma_start3A_160 : memref<128xi32, #tpu.memory_space<hbm>>) target(%dma_start3A_157 : memref<128xi32, #tpu.memory_space<vmem>>) target_semaphore(%dma_start3A_154 : memref<!tpu.dma_semaphore, #tpu.memory_space<semaphore_mem>>)
      } else {
      }
      %mul3A_55 = arith.constant 128 : i32
      %mul3A_56 = arith.muli %add3A_50, %mul3A_55 : i32
      %dma_wait3A = arith.constant 0 : i32
      %dma_wait3A_57 = arith.constant 0 : i32
      %dma_wait3A_58 = arith.constant 0 : i32
      %dma_wait3A_59 = arith.constant 0 : i32
      %dma_wait3A_60 = tpu.memref_slice %arg9[%dma_wait3A, %dma_wait3A_58, %dma_wait3A_59] : memref<2x128x128xf32, #tpu.memory_space<vmem>> -> memref<1x128x128xf32, #tpu.memory_space<vmem>>
      %dma_wait3A_61 = tpu.memref_squeeze %dma_wait3A_60 : memref<1x128x128xf32, #tpu.memory_space<vmem>> -> memref<128x128xf32, #tpu.memory_space<vmem>>
      %dma_wait3A_62 = tpu.memref_slice %arg7[%mul3A_56] : memref<10240xi32, #tpu.memory_space<vmem>> -> memref<128xi32, #tpu.memory_space<vmem>>
      %dma_wait3A_63 = arith.constant 0 : i32
      %dma_wait3A_64 = arith.constant 0 : i32
      %dma_wait3A_65 = tpu.memref_slice %arg2[%dma_wait3A_63, %dma_wait3A_64] : memref<10240x128xf32, #tpu.memory_space<hbm>> -> memref<10240x128xf32, #tpu.memory_space<hbm>>
      %dma_wait3A_66 = tpu.memref_slice %arg11[%dma_wait3A_57] : memref<2x!tpu.dma_semaphore, #tpu.memory_space<semaphore_mem>> -> memref<1x!tpu.dma_semaphore, #tpu.memory_space<semaphore_mem>>
      %dma_wait3A_67 = tpu.memref_squeeze %dma_wait3A_66 : memref<1x!tpu.dma_semaphore, #tpu.memory_space<semaphore_mem>> -> memref<!tpu.dma_semaphore, #tpu.memory_space<semaphore_mem>>
      tpu.wait_indirect_dma semaphore(%dma_wait3A_67 : memref<!tpu.dma_semaphore, #tpu.memory_space<semaphore_mem>>) src(%dma_wait3A_65 : memref<10240x128xf32, #tpu.memory_space<hbm>>) dst(%dma_wait3A_61 : memref<128x128xf32, #tpu.memory_space<vmem>>)
      %dma_wait3A_68 = arith.constant 0 : i32
      %dma_wait3A_69 = arith.constant 0 : i32
      %dma_wait3A_70 = arith.constant 0 : i32
      %dma_wait3A_71 = tpu.memref_slice %arg8[%dma_wait3A_68, %dma_wait3A_70] : memref<2x128xi32, #tpu.memory_space<vmem>> -> memref<1x128xi32, #tpu.memory_space<vmem>>
      %dma_wait3A_72 = tpu.memref_squeeze %dma_wait3A_71 : memref<1x128xi32, #tpu.memory_space<vmem>> -> memref<128xi32, #tpu.memory_space<vmem>>
      %dma_wait3A_73 = arith.constant 0 : i32
      %dma_wait3A_74 = tpu.memref_slice %arg4[%add3A, %add3A_50, %dma_wait3A_73] : memref<32x80x128xi32, #tpu.memory_space<hbm>> -> memref<1x1x128xi32, #tpu.memory_space<hbm>>
      %dma_wait3A_75 = tpu.memref_squeeze %dma_wait3A_74 : memref<1x1x128xi32, #tpu.memory_space<hbm>> -> memref<128xi32, #tpu.memory_space<hbm>>
      %dma_wait3A_76 = tpu.memref_slice %arg12[%dma_wait3A_69] : memref<2x!tpu.dma_semaphore, #tpu.memory_space<semaphore_mem>> -> memref<1x!tpu.dma_semaphore, #tpu.memory_space<semaphore_mem>>
      %dma_wait3A_77 = tpu.memref_squeeze %dma_wait3A_76 : memref<1x!tpu.dma_semaphore, #tpu.memory_space<semaphore_mem>> -> memref<!tpu.dma_semaphore, #tpu.memory_space<semaphore_mem>>
      %dma_wait3A_78 = arith.constant 0 : i32
      %dma_wait3A_79 = tpu.memref_slice %arg8[%dma_wait3A_68, %dma_wait3A_78] : memref<2x128xi32, #tpu.memory_space<vmem>> -> memref<1x128xi32, #tpu.memory_space<vmem>>
      %dma_wait3A_80 = tpu.memref_squeeze %dma_wait3A_79 : memref<1x128xi32, #tpu.memory_space<vmem>> -> memref<128xi32, #tpu.memory_space<vmem>>
      %dma_wait3A_81 = arith.constant 0 : i32
      %dma_wait3A_82 = tpu.memref_slice %arg4[%add3A, %add3A_50, %dma_wait3A_81] : memref<32x80x128xi32, #tpu.memory_space<hbm>> -> memref<1x1x128xi32, #tpu.memory_space<hbm>>
      %dma_wait3A_83 = tpu.memref_squeeze %dma_wait3A_82 : memref<1x1x128xi32, #tpu.memory_space<hbm>> -> memref<128xi32, #tpu.memory_space<hbm>>
      tpu.wait_dma2 semaphore(%dma_wait3A_77 : memref<!tpu.dma_semaphore, #tpu.memory_space<semaphore_mem>>) src(%dma_wait3A_83 : memref<128xi32, #tpu.memory_space<hbm>>) dst(%dma_wait3A_80 : memref<128xi32, #tpu.memory_space<vmem>>)
      %run_scoped3A = arith.constant 0 : i32
      %run_scoped3A_84 = arith.constant 0 : i32
      "tpu.region"() ({
        %run_scoped3A_129 = tpu.sem_alloc : memref<!tpu.dma_semaphore, #tpu.memory_space<semaphore_mem>>
        %dma_start3A_130 = arith.constant 0 : i32
        %dma_start3A_131 = arith.constant 0 : i32
        %dma_start3A_132 = tpu.memref_slice %arg9[%run_scoped3A, %dma_start3A_130, %dma_start3A_131] : memref<2x128x128xf32, #tpu.memory_space<vmem>> -> memref<1x128x128xf32, #tpu.memory_space<vmem>>
        %dma_start3A_133 = tpu.memref_squeeze %dma_start3A_132 : memref<1x128x128xf32, #tpu.memory_space<vmem>> -> memref<128x128xf32, #tpu.memory_space<vmem>>
        %dma_start3A_134 = arith.constant 0 : i32
        %dma_start3A_135 = tpu.memref_slice %arg8[%run_scoped3A_84, %dma_start3A_134] : memref<2x128xi32, #tpu.memory_space<vmem>> -> memref<1x128xi32, #tpu.memory_space<vmem>>
        %dma_start3A_136 = tpu.memref_squeeze %dma_start3A_135 : memref<1x128xi32, #tpu.memory_space<vmem>> -> memref<128xi32, #tpu.memory_space<vmem>>
        %dma_start3A_137 = arith.constant 0 : i32
        %dma_start3A_138 = arith.constant 0 : i32
        %dma_start3A_139 = tpu.memref_slice %arg10[%dma_start3A_137, %dma_start3A_138] : memref<10240x128xf32, #tpu.memory_space<vmem_shared>> -> memref<10240x128xf32, #tpu.memory_space<vmem_shared>>
        tpu.enqueue_indirect_dma source(%dma_start3A_133 : memref<128x128xf32, #tpu.memory_space<vmem>>) target(%dma_start3A_139 : memref<10240x128xf32, #tpu.memory_space<vmem_shared>>) offsets(%dma_start3A_136 : memref<128xi32, #tpu.memory_space<vmem>>) semaphore(%run_scoped3A_129 : memref<!tpu.dma_semaphore, #tpu.memory_space<semaphore_mem>>) {add = true}
        %dma_wait3A_140 = arith.constant 0 : i32
        %dma_wait3A_141 = arith.constant 0 : i32
        %dma_wait3A_142 = tpu.memref_slice %arg9[%run_scoped3A, %dma_wait3A_140, %dma_wait3A_141] : memref<2x128x128xf32, #tpu.memory_space<vmem>> -> memref<1x128x128xf32, #tpu.memory_space<vmem>>
        %dma_wait3A_143 = tpu.memref_squeeze %dma_wait3A_142 : memref<1x128x128xf32, #tpu.memory_space<vmem>> -> memref<128x128xf32, #tpu.memory_space<vmem>>
        %dma_wait3A_144 = arith.constant 0 : i32
        %dma_wait3A_145 = tpu.memref_slice %arg8[%run_scoped3A_84, %dma_wait3A_144] : memref<2x128xi32, #tpu.memory_space<vmem>> -> memref<1x128xi32, #tpu.memory_space<vmem>>
        %dma_wait3A_146 = tpu.memref_squeeze %dma_wait3A_145 : memref<1x128xi32, #tpu.memory_space<vmem>> -> memref<128xi32, #tpu.memory_space<vmem>>
        %dma_wait3A_147 = arith.constant 0 : i32
        %dma_wait3A_148 = arith.constant 0 : i32
        %dma_wait3A_149 = tpu.memref_slice %arg10[%dma_wait3A_147, %dma_wait3A_148] : memref<10240x128xf32, #tpu.memory_space<vmem_shared>> -> memref<10240x128xf32, #tpu.memory_space<vmem_shared>>
        tpu.wait_indirect_dma semaphore(%run_scoped3A_129 : memref<!tpu.dma_semaphore, #tpu.memory_space<semaphore_mem>>) src(%dma_wait3A_143 : memref<128x128xf32, #tpu.memory_space<vmem>>) dst(%dma_wait3A_149 : memref<10240x128xf32, #tpu.memory_space<vmem_shared>>)
        tpu.yield
      }) : () -> ()
      %mul3A_85 = arith.constant 2 : i32
      %mul3A_86 = arith.muli %scan3A_45, %mul3A_85 : i32
      %add3A_87 = arith.constant 1 : i32
      %add3A_88 = arith.addi %mul3A_86, %add3A_87 : i32
      %add3A_89 = arith.constant 1 : i32
      %add3A_90 = arith.addi %add3A_88, %add3A_89 : i32
      %lt3A_91 = arith.constant 80 : i32
      %lt3A_92 = arith.cmpi slt, %add3A_90, %lt3A_91 : i32
      %convert_element_type3A_93 = arith.extui %lt3A_92 : i1 to i32
      %cond3A_94 = arith.constant 0 : i32
      %cond3A_95 = arith.cmpi ne, %convert_element_type3A_93, %cond3A_94 : i32
      scf.if %cond3A_95 {
        %add3A_129 = arith.constant 1 : i32
        %add3A_130 = arith.addi %add3A_88, %add3A_129 : i32
        %mul3A_131 = arith.constant 128 : i32
        %mul3A_132 = arith.muli %add3A_130, %mul3A_131 : i32
        %dma_start3A_133 = arith.constant 0 : i32
        %dma_start3A_134 = arith.constant 0 : i32
        %dma_start3A_135 = arith.constant 0 : i32
        %dma_start3A_136 = arith.constant 0 : i32
        %dma_start3A_137 = tpu.memref_slice %arg9[%dma_start3A_133, %dma_start3A_135, %dma_start3A_136] : memref<2x128x128xf32, #tpu.memory_space<vmem>> -> memref<1x128x128xf32, #tpu.memory_space<vmem>>
        %dma_start3A_138 = tpu.memref_squeeze %dma_start3A_137 : memref<1x128x128xf32, #tpu.memory_space<vmem>> -> memref<128x128xf32, #tpu.memory_space<vmem>>
        %dma_start3A_139 = tpu.memref_slice %arg7[%mul3A_132] : memref<10240xi32, #tpu.memory_space<vmem>> -> memref<128xi32, #tpu.memory_space<vmem>>
        %dma_start3A_140 = arith.constant 0 : i32
        %dma_start3A_141 = arith.constant 0 : i32
        %dma_start3A_142 = tpu.memref_slice %arg2[%dma_start3A_140, %dma_start3A_141] : memref<10240x128xf32, #tpu.memory_space<hbm>> -> memref<10240x128xf32, #tpu.memory_space<hbm>>
        %dma_start3A_143 = tpu.memref_slice %arg11[%dma_start3A_134] : memref<2x!tpu.dma_semaphore, #tpu.memory_space<semaphore_mem>> -> memref<1x!tpu.dma_semaphore, #tpu.memory_space<semaphore_mem>>
        %dma_start3A_144 = tpu.memref_squeeze %dma_start3A_143 : memref<1x!tpu.dma_semaphore, #tpu.memory_space<semaphore_mem>> -> memref<!tpu.dma_semaphore, #tpu.memory_space<semaphore_mem>>
        tpu.enqueue_indirect_dma source(%dma_start3A_142 : memref<10240x128xf32, #tpu.memory_space<hbm>>) target(%dma_start3A_138 : memref<128x128xf32, #tpu.memory_space<vmem>>) offsets(%dma_start3A_139 : memref<128xi32, #tpu.memory_space<vmem>>) semaphore(%dma_start3A_144 : memref<!tpu.dma_semaphore, #tpu.memory_space<semaphore_mem>>)
        %dma_start3A_145 = arith.constant 0 : i32
        %dma_start3A_146 = arith.constant 0 : i32
        %dma_start3A_147 = arith.constant 0 : i32
        %dma_start3A_148 = tpu.memref_slice %arg8[%dma_start3A_145, %dma_start3A_147] : memref<2x128xi32, #tpu.memory_space<vmem>> -> memref<1x128xi32, #tpu.memory_space<vmem>>
        %dma_start3A_149 = tpu.memref_squeeze %dma_start3A_148 : memref<1x128xi32, #tpu.memory_space<vmem>> -> memref<128xi32, #tpu.memory_space<vmem>>
        %dma_start3A_150 = arith.constant 0 : i32
        %dma_start3A_151 = tpu.memref_slice %arg4[%add3A, %add3A_130, %dma_start3A_150] : memref<32x80x128xi32, #tpu.memory_space<hbm>> -> memref<1x1x128xi32, #tpu.memory_space<hbm>>
        %dma_start3A_152 = tpu.memref_squeeze %dma_start3A_151 : memref<1x1x128xi32, #tpu.memory_space<hbm>> -> memref<128xi32, #tpu.memory_space<hbm>>
        %dma_start3A_153 = tpu.memref_slice %arg12[%dma_start3A_146] : memref<2x!tpu.dma_semaphore, #tpu.memory_space<semaphore_mem>> -> memref<1x!tpu.dma_semaphore, #tpu.memory_space<semaphore_mem>>
        %dma_start3A_154 = tpu.memref_squeeze %dma_start3A_153 : memref<1x!tpu.dma_semaphore, #tpu.memory_space<semaphore_mem>> -> memref<!tpu.dma_semaphore, #tpu.memory_space<semaphore_mem>>
        %dma_start3A_155 = arith.constant 0 : i32
        %dma_start3A_156 = tpu.memref_slice %arg8[%dma_start3A_145, %dma_start3A_155] : memref<2x128xi32, #tpu.memory_space<vmem>> -> memref<1x128xi32, #tpu.memory_space<vmem>>
        %dma_start3A_157 = tpu.memref_squeeze %dma_start3A_156 : memref<1x128xi32, #tpu.memory_space<vmem>> -> memref<128xi32, #tpu.memory_space<vmem>>
        %dma_start3A_158 = arith.constant 0 : i32
        %dma_start3A_159 = tpu.memref_slice %arg4[%add3A, %add3A_130, %dma_start3A_158] : memref<32x80x128xi32, #tpu.memory_space<hbm>> -> memref<1x1x128xi32, #tpu.memory_space<hbm>>
        %dma_start3A_160 = tpu.memref_squeeze %dma_start3A_159 : memref<1x1x128xi32, #tpu.memory_space<hbm>> -> memref<128xi32, #tpu.memory_space<hbm>>
        tpu.enqueue_dma source(%dma_start3A_160 : memref<128xi32, #tpu.memory_space<hbm>>) target(%dma_start3A_157 : memref<128xi32, #tpu.memory_space<vmem>>) target_semaphore(%dma_start3A_154 : memref<!tpu.dma_semaphore, #tpu.memory_space<semaphore_mem>>)
      } else {
      }
      %mul3A_96 = arith.constant 128 : i32
      %mul3A_97 = arith.muli %add3A_88, %mul3A_96 : i32
      %dma_wait3A_98 = arith.constant 1 : i32
      %dma_wait3A_99 = arith.constant 1 : i32
      %dma_wait3A_100 = arith.constant 0 : i32
      %dma_wait3A_101 = arith.constant 0 : i32
      %dma_wait3A_102 = tpu.memref_slice %arg9[%dma_wait3A_98, %dma_wait3A_100, %dma_wait3A_101] : memref<2x128x128xf32, #tpu.memory_space<vmem>> -> memref<1x128x128xf32, #tpu.memory_space<vmem>>
      %dma_wait3A_103 = tpu.memref_squeeze %dma_wait3A_102 : memref<1x128x128xf32, #tpu.memory_space<vmem>> -> memref<128x128xf32, #tpu.memory_space<vmem>>
      %dma_wait3A_104 = tpu.memref_slice %arg7[%mul3A_97] : memref<10240xi32, #tpu.memory_space<vmem>> -> memref<128xi32, #tpu.memory_space<vmem>>
      %dma_wait3A_105 = arith.constant 0 : i32
      %dma_wait3A_106 = arith.constant 0 : i32
      %dma_wait3A_107 = tpu.memref_slice %arg2[%dma_wait3A_105, %dma_wait3A_106] : memref<10240x128xf32, #tpu.memory_space<hbm>> -> memref<10240x128xf32, #tpu.memory_space<hbm>>
      %dma_wait3A_108 = tpu.memref_slice %arg11[%dma_wait3A_99] : memref<2x!tpu.dma_semaphore, #tpu.memory_space<semaphore_mem>> -> memref<1x!tpu.dma_semaphore, #tpu.memory_space<semaphore_mem>>
      %dma_wait3A_109 = tpu.memref_squeeze %dma_wait3A_108 : memref<1x!tpu.dma_semaphore, #tpu.memory_space<semaphore_mem>> -> memref<!tpu.dma_semaphore, #tpu.memory_space<semaphore_mem>>
      tpu.wait_indirect_dma semaphore(%dma_wait3A_109 : memref<!tpu.dma_semaphore, #tpu.memory_space<semaphore_mem>>) src(%dma_wait3A_107 : memref<10240x128xf32, #tpu.memory_space<hbm>>) dst(%dma_wait3A_103 : memref<128x128xf32, #tpu.memory_space<vmem>>)
      %dma_wait3A_110 = arith.constant 1 : i32
      %dma_wait3A_111 = arith.constant 1 : i32
      %dma_wait3A_112 = arith.constant 0 : i32
      %dma_wait3A_113 = tpu.memref_slice %arg8[%dma_wait3A_110, %dma_wait3A_112] : memref<2x128xi32, #tpu.memory_space<vmem>> -> memref<1x128xi32, #tpu.memory_space<vmem>>
      %dma_wait3A_114 = tpu.memref_squeeze %dma_wait3A_113 : memref<1x128xi32, #tpu.memory_space<vmem>> -> memref<128xi32, #tpu.memory_space<vmem>>
      %dma_wait3A_115 = arith.constant 0 : i32
      %dma_wait3A_116 = tpu.memref_slice %arg4[%add3A, %add3A_88, %dma_wait3A_115] : memref<32x80x128xi32, #tpu.memory_space<hbm>> -> memref<1x1x128xi32, #tpu.memory_space<hbm>>
      %dma_wait3A_117 = tpu.memref_squeeze %dma_wait3A_116 : memref<1x1x128xi32, #tpu.memory_space<hbm>> -> memref<128xi32, #tpu.memory_space<hbm>>
      %dma_wait3A_118 = tpu.memref_slice %arg12[%dma_wait3A_111] : memref<2x!tpu.dma_semaphore, #tpu.memory_space<semaphore_mem>> -> memref<1x!tpu.dma_semaphore, #tpu.memory_space<semaphore_mem>>
      %dma_wait3A_119 = tpu.memref_squeeze %dma_wait3A_118 : memref<1x!tpu.dma_semaphore, #tpu.memory_space<semaphore_mem>> -> memref<!tpu.dma_semaphore, #tpu.memory_space<semaphore_mem>>
      %dma_wait3A_120 = arith.constant 0 : i32
      %dma_wait3A_121 = tpu.memref_slice %arg8[%dma_wait3A_110, %dma_wait3A_120] : memref<2x128xi32, #tpu.memory_space<vmem>> -> memref<1x128xi32, #tpu.memory_space<vmem>>
      %dma_wait3A_122 = tpu.memref_squeeze %dma_wait3A_121 : memref<1x128xi32, #tpu.memory_space<vmem>> -> memref<128xi32, #tpu.memory_space<vmem>>
      %dma_wait3A_123 = arith.constant 0 : i32
      %dma_wait3A_124 = tpu.memref_slice %arg4[%add3A, %add3A_88, %dma_wait3A_123] : memref<32x80x128xi32, #tpu.memory_space<hbm>> -> memref<1x1x128xi32, #tpu.memory_space<hbm>>
      %dma_wait3A_125 = tpu.memref_squeeze %dma_wait3A_124 : memref<1x1x128xi32, #tpu.memory_space<hbm>> -> memref<128xi32, #tpu.memory_space<hbm>>
      tpu.wait_dma2 semaphore(%dma_wait3A_119 : memref<!tpu.dma_semaphore, #tpu.memory_space<semaphore_mem>>) src(%dma_wait3A_125 : memref<128xi32, #tpu.memory_space<hbm>>) dst(%dma_wait3A_122 : memref<128xi32, #tpu.memory_space<vmem>>)
      %run_scoped3A_126 = arith.constant 1 : i32
      %run_scoped3A_127 = arith.constant 1 : i32
      "tpu.region"() ({
        %run_scoped3A_129 = tpu.sem_alloc : memref<!tpu.dma_semaphore, #tpu.memory_space<semaphore_mem>>
        %dma_start3A_130 = arith.constant 0 : i32
        %dma_start3A_131 = arith.constant 0 : i32
        %dma_start3A_132 = tpu.memref_slice %arg9[%run_scoped3A_126, %dma_start3A_130, %dma_start3A_131] : memref<2x128x128xf32, #tpu.memory_space<vmem>> -> memref<1x128x128xf32, #tpu.memory_space<vmem>>
        %dma_start3A_133 = tpu.memref_squeeze %dma_start3A_132 : memref<1x128x128xf32, #tpu.memory_space<vmem>> -> memref<128x128xf32, #tpu.memory_space<vmem>>
        %dma_start3A_134 = arith.constant 0 : i32
        %dma_start3A_135 = tpu.memref_slice %arg8[%run_scoped3A_127, %dma_start3A_134] : memref<2x128xi32, #tpu.memory_space<vmem>> -> memref<1x128xi32, #tpu.memory_space<vmem>>
        %dma_start3A_136 = tpu.memref_squeeze %dma_start3A_135 : memref<1x128xi32, #tpu.memory_space<vmem>> -> memref<128xi32, #tpu.memory_space<vmem>>
        %dma_start3A_137 = arith.constant 0 : i32
        %dma_start3A_138 = arith.constant 0 : i32
        %dma_start3A_139 = tpu.memref_slice %arg10[%dma_start3A_137, %dma_start3A_138] : memref<10240x128xf32, #tpu.memory_space<vmem_shared>> -> memref<10240x128xf32, #tpu.memory_space<vmem_shared>>
        tpu.enqueue_indirect_dma source(%dma_start3A_133 : memref<128x128xf32, #tpu.memory_space<vmem>>) target(%dma_start3A_139 : memref<10240x128xf32, #tpu.memory_space<vmem_shared>>) offsets(%dma_start3A_136 : memref<128xi32, #tpu.memory_space<vmem>>) semaphore(%run_scoped3A_129 : memref<!tpu.dma_semaphore, #tpu.memory_space<semaphore_mem>>) {add = true}
        %dma_wait3A_140 = arith.constant 0 : i32
        %dma_wait3A_141 = arith.constant 0 : i32
        %dma_wait3A_142 = tpu.memref_slice %arg9[%run_scoped3A_126, %dma_wait3A_140, %dma_wait3A_141] : memref<2x128x128xf32, #tpu.memory_space<vmem>> -> memref<1x128x128xf32, #tpu.memory_space<vmem>>
        %dma_wait3A_143 = tpu.memref_squeeze %dma_wait3A_142 : memref<1x128x128xf32, #tpu.memory_space<vmem>> -> memref<128x128xf32, #tpu.memory_space<vmem>>
        %dma_wait3A_144 = arith.constant 0 : i32
        %dma_wait3A_145 = tpu.memref_slice %arg8[%run_scoped3A_127, %dma_wait3A_144] : memref<2x128xi32, #tpu.memory_space<vmem>> -> memref<1x128xi32, #tpu.memory_space<vmem>>
        %dma_wait3A_146 = tpu.memref_squeeze %dma_wait3A_145 : memref<1x128xi32, #tpu.memory_space<vmem>> -> memref<128xi32, #tpu.memory_space<vmem>>
        %dma_wait3A_147 = arith.constant 0 : i32
        %dma_wait3A_148 = arith.constant 0 : i32
        %dma_wait3A_149 = tpu.memref_slice %arg10[%dma_wait3A_147, %dma_wait3A_148] : memref<10240x128xf32, #tpu.memory_space<vmem_shared>> -> memref<10240x128xf32, #tpu.memory_space<vmem_shared>>
        tpu.wait_indirect_dma semaphore(%run_scoped3A_129 : memref<!tpu.dma_semaphore, #tpu.memory_space<semaphore_mem>>) src(%dma_wait3A_143 : memref<128x128xf32, #tpu.memory_space<vmem>>) dst(%dma_wait3A_149 : memref<10240x128xf32, #tpu.memory_space<vmem_shared>>)
        tpu.yield
      }) : () -> ()
      %scan3A_128 = arith.constant 0 : i32
      scf.yield %scan3A_128 : i32
    }
    %scan3A_39 = arith.constant 40 : i32
    %barrier3A_40 = arith.constant 0 : index
    tpu.barrier barrier_id(%barrier3A_40)
    %mul3A_41 = arith.constant 640 : i32
    %mul3A_42 = arith.muli %arg1, %mul3A_41 : i32
    %mul3A_43 = arith.constant 640 : i32
    %mul3A_44 = arith.muli %arg1, %mul3A_43 : i32
    "tpu.region"() ({
      %run_scoped3A = tpu.sem_alloc : memref<!tpu.dma_semaphore, #tpu.memory_space<semaphore_mem>>
      %dma_start3A_45 = arith.constant 0 : i32
      %dma_start3A_46 = tpu.memref_slice %arg6[%arg0, %mul3A_44, %dma_start3A_45] : memref<2x10240x128xf32, #tpu.memory_space<hbm>> -> memref<1x640x128xf32, #tpu.memory_space<hbm>>
      %dma_start3A_47 = tpu.memref_squeeze %dma_start3A_46 : memref<1x640x128xf32, #tpu.memory_space<hbm>> -> memref<640x128xf32, #tpu.memory_space<hbm>>
      %dma_start3A_48 = arith.constant 0 : i32
      %dma_start3A_49 = tpu.memref_slice %arg10[%mul3A_42, %dma_start3A_48] : memref<10240x128xf32, #tpu.memory_space<vmem_shared>> -> memref<640x128xf32, #tpu.memory_space<vmem_shared>>
      tpu.enqueue_dma source(%dma_start3A_49 : memref<640x128xf32, #tpu.memory_space<vmem_shared>>) target(%dma_start3A_47 : memref<640x128xf32, #tpu.memory_space<hbm>>) target_semaphore(%run_scoped3A : memref<!tpu.dma_semaphore, #tpu.memory_space<semaphore_mem>>)
      %dma_wait3A = arith.constant 0 : i32
      %dma_wait3A_50 = tpu.memref_slice %arg6[%arg0, %mul3A_44, %dma_wait3A] : memref<2x10240x128xf32, #tpu.memory_space<hbm>> -> memref<1x640x128xf32, #tpu.memory_space<hbm>>
      %dma_wait3A_51 = tpu.memref_squeeze %dma_wait3A_50 : memref<1x640x128xf32, #tpu.memory_space<hbm>> -> memref<640x128xf32, #tpu.memory_space<hbm>>
      %dma_wait3A_52 = arith.constant 0 : i32
      %dma_wait3A_53 = tpu.memref_slice %arg10[%mul3A_42, %dma_wait3A_52] : memref<10240x128xf32, #tpu.memory_space<vmem_shared>> -> memref<640x128xf32, #tpu.memory_space<vmem_shared>>
      tpu.wait_dma2 semaphore(%run_scoped3A : memref<!tpu.dma_semaphore, #tpu.memory_space<semaphore_mem>>) src(%dma_wait3A_53 : memref<640x128xf32, #tpu.memory_space<vmem_shared>>) dst(%dma_wait3A_51 : memref<640x128xf32, #tpu.memory_space<hbm>>)
      tpu.yield
    }) : () -> ()
    return
  }
}

module attributes {stable_mosaic.version = 14 : i64} {
  func.func @_dense1_body(%arg0: i32, %arg1: memref<1024x128xf32, #tpu.memory_space<vmem>>, %arg2: memref<128x128xf32, #tpu.memory_space<vmem>>, %arg3: memref<1024x16xf32, #tpu.memory_space<vmem>>, %arg4: memref<1024x16xf32, #tpu.memory_space<vmem>>, %arg5: memref<1024x128xf32, #tpu.memory_space<vmem>>, %arg6: memref<1024x128xf32, #tpu.memory_space<vmem>>) attributes {dimension_semantics = [#tpu.dimension_semantics<arbitrary>], iteration_bounds = array<i64: 10>, scalar_prefetch = 0 : i64, scratch_operands = 0 : i64, tpu.core_type = #tpu.core_type<tc>, window_params = [{transform_indices = @transform_0, window_bounds = array<i64: 1024, 128>}, {pipeline_mode = #tpu.pipeline_mode<synchronous>, transform_indices = @transform_1, window_bounds = array<i64: 128, 128>}, {transform_indices = @transform_2, window_bounds = array<i64: 1024, 16>}, {transform_indices = @transform_3, window_bounds = array<i64: 1024, 16>}, {transform_indices = @transform_4, window_bounds = array<i64: 1024, 128>}, {transform_indices = @transform_5, window_bounds = array<i64: 1024, 128>}]} {
    %get3A = arith.constant 0 : index
    %get3A_0 = arith.constant 0 : index
    %get3A_1 = vector.load %arg1[%get3A, %get3A_0] : memref<1024x128xf32, #tpu.memory_space<vmem>>, vector<1024x128xf32>
    %get3A_2 = arith.constant 0 : index
    %get3A_3 = arith.constant 0 : index
    %get3A_4 = vector.load %arg2[%get3A_2, %get3A_3] : memref<128x128xf32, #tpu.memory_space<vmem>>, vector<128x128xf32>
    %dot_general3A = arith.constant dense<0.000000e+00> : vector<1024x128xf32>
    %dot_general3A_5 = tpu.matmul %get3A_1, %get3A_4, %dot_general3A {dimension_numbers = #tpu.dot_dimension_numbers<[1], [0], [0], [1], [0, 0, 1, 1], [], []>, transpose_lhs_hint = false} : vector<1024x128xf32>, vector<128x128xf32>, vector<1024x128xf32> -> vector<1024x128xf32>
    %get3A_6 = arith.constant 0 : index
    %get3A_7 = arith.constant 0 : index
    %get3A_8 = vector.load %arg3[%get3A_6, %get3A_7] : memref<1024x16xf32, #tpu.memory_space<vmem>>, vector<1024x16xf32>
    %get3A_9 = arith.constant 0 : index
    %get3A_10 = arith.constant 0 : index
    %get3A_11 = vector.load %arg4[%get3A_9, %get3A_10] : memref<1024x16xf32, #tpu.memory_space<vmem>>, vector<1024x16xf32>
    %slice3A = vector.extract_strided_slice %get3A_8 {offsets = [0, 0], sizes = [1024, 1], strides = [1, 1]} : vector<1024x16xf32> to vector<1024x1xf32>
    %slice3A_12 = vector.extract_strided_slice %get3A_11 {offsets = [0, 0], sizes = [1024, 1], strides = [1, 1]} : vector<1024x16xf32> to vector<1024x1xf32>
    %add3A = arith.addf %slice3A, %slice3A_12 : vector<1024x1xf32>
    %add3A_13 = arith.constant 1.000000e+00 : f32
    %add3A_14 = vector.broadcast %add3A_13 : f32 to vector<1024x1xf32>
    %add3A_15 = arith.addf %add3A, %add3A_14 : vector<1024x1xf32>
    %rsqrt3A = math.rsqrt %add3A_15 : vector<1024x1xf32>
    %swap3A = arith.constant 0 : index
    %swap3A_16 = arith.constant 0 : index
    %swap3A_17 = vector.load %arg5[%swap3A, %swap3A_16] : memref<1024x128xf32, #tpu.memory_space<vmem>>, vector<1024x128xf32>
    tpu.vector_store %arg5[%swap3A, %swap3A_16], %dot_general3A_5 {strides = array<i32>} : memref<1024x128xf32, #tpu.memory_space<vmem>>, vector<1024x128xf32>,
    %mul3A = vector.broadcast %rsqrt3A : vector<1024x1xf32> to vector<1024x128xf32>
    %mul3A_18 = arith.mulf %dot_general3A_5, %mul3A : vector<1024x128xf32>
    %swap3A_19 = arith.constant 0 : index
    %swap3A_20 = arith.constant 0 : index
    %swap3A_21 = vector.load %arg6[%swap3A_19, %swap3A_20] : memref<1024x128xf32, #tpu.memory_space<vmem>>, vector<1024x128xf32>
    tpu.vector_store %arg6[%swap3A_19, %swap3A_20], %mul3A_18 {strides = array<i32>} : memref<1024x128xf32, #tpu.memory_space<vmem>>, vector<1024x128xf32>,
    return
  }
  func.func @transform_0(%arg0: i32) -> (i32, i32) {
    %c0_i32 = arith.constant 0 : i32
    %c0_i32_0 = arith.constant 0 : i32
    return %arg0, %c0_i32 : i32, i32
  }
  func.func @transform_1(%arg0: i32) -> (i32, i32) {
    %c0_i32 = arith.constant 0 : i32
    %c0_i32_0 = arith.constant 0 : i32
    %c0_i32_1 = arith.constant 0 : i32
    return %c0_i32, %c0_i32_0 : i32, i32
  }
  func.func @transform_2(%arg0: i32) -> (i32, i32) {
    %c0_i32 = arith.constant 0 : i32
    %c0_i32_0 = arith.constant 0 : i32
    return %arg0, %c0_i32 : i32, i32
  }
  func.func @transform_3(%arg0: i32) -> (i32, i32) {
    %c0_i32 = arith.constant 0 : i32
    %c0_i32_0 = arith.constant 0 : i32
    return %arg0, %c0_i32 : i32, i32
  }
  func.func @transform_4(%arg0: i32) -> (i32, i32) {
    %c0_i32 = arith.constant 0 : i32
    %c0_i32_0 = arith.constant 0 : i32
    return %arg0, %c0_i32 : i32, i32
  }
  func.func @transform_5(%arg0: i32) -> (i32, i32) {
    %c0_i32 = arith.constant 0 : i32
    %c0_i32_0 = arith.constant 0 : i32
    return %arg0, %c0_i32 : i32, i32
  }
}

module attributes {stable_mosaic.version = 14 : i64} {
  func.func @_mid_body(%arg0: i32, %arg1: memref<1024x128xf32, #tpu.memory_space<vmem>>, %arg2: memref<1024x128xf32, #tpu.memory_space<vmem>>, %arg3: memref<1024x128xf32, #tpu.memory_space<vmem>>, %arg4: memref<1024x16xf32, #tpu.memory_space<vmem>>, %arg5: memref<1024x16xf32, #tpu.memory_space<vmem>>, %arg6: memref<1x128xf32, #tpu.memory_space<vmem>>, %arg7: memref<1024x128xf32, #tpu.memory_space<vmem>>, %arg8: memref<1024x128xf32, #tpu.memory_space<vmem>>) attributes {dimension_semantics = [#tpu.dimension_semantics<arbitrary>], iteration_bounds = array<i64: 10>, scalar_prefetch = 0 : i64, scratch_operands = 0 : i64, tpu.core_type = #tpu.core_type<tc>, window_params = [{transform_indices = @transform_0, window_bounds = array<i64: 1024, 128>}, {transform_indices = @transform_1, window_bounds = array<i64: 1024, 128>}, {transform_indices = @transform_2, window_bounds = array<i64: 1024, 128>}, {transform_indices = @transform_3, window_bounds = array<i64: 1024, 16>}, {transform_indices = @transform_4, window_bounds = array<i64: 1024, 16>}, {pipeline_mode = #tpu.pipeline_mode<synchronous>, transform_indices = @transform_5, window_bounds = array<i64: 1, 128>}, {transform_indices = @transform_6, window_bounds = array<i64: 1024, 128>}, {transform_indices = @transform_7, window_bounds = array<i64: 1024, 128>}]} {
    %get3A = arith.constant 0 : index
    %get3A_0 = arith.constant 0 : index
    %get3A_1 = vector.load %arg4[%get3A, %get3A_0] : memref<1024x16xf32, #tpu.memory_space<vmem>>, vector<1024x16xf32>
    %get3A_2 = arith.constant 0 : index
    %get3A_3 = arith.constant 0 : index
    %get3A_4 = vector.load %arg5[%get3A_2, %get3A_3] : memref<1024x16xf32, #tpu.memory_space<vmem>>, vector<1024x16xf32>
    %slice3A = vector.extract_strided_slice %get3A_1 {offsets = [0, 0], sizes = [1024, 1], strides = [1, 1]} : vector<1024x16xf32> to vector<1024x1xf32>
    %slice3A_5 = vector.extract_strided_slice %get3A_4 {offsets = [0, 0], sizes = [1024, 1], strides = [1, 1]} : vector<1024x16xf32> to vector<1024x1xf32>
    %add3A = arith.addf %slice3A, %slice3A_5 : vector<1024x1xf32>
    %add3A_6 = arith.constant 1.000000e+00 : f32
    %add3A_7 = vector.broadcast %add3A_6 : f32 to vector<1024x1xf32>
    %add3A_8 = arith.addf %add3A, %add3A_7 : vector<1024x1xf32>
    %rsqrt3A = math.rsqrt %add3A_8 : vector<1024x1xf32>
    %get3A_9 = arith.constant 0 : index
    %get3A_10 = arith.constant 0 : index
    %get3A_11 = vector.load %arg1[%get3A_9, %get3A_10] : memref<1024x128xf32, #tpu.memory_space<vmem>>, vector<1024x128xf32>
    %get3A_12 = arith.constant 0 : index
    %get3A_13 = arith.constant 0 : index
    %get3A_14 = vector.load %arg2[%get3A_12, %get3A_13] : memref<1024x128xf32, #tpu.memory_space<vmem>>, vector<1024x128xf32>
    %add3A_15 = arith.addf %get3A_11, %get3A_14 : vector<1024x128xf32>
    %mul3A = vector.broadcast %rsqrt3A : vector<1024x1xf32> to vector<1024x128xf32>
    %mul3A_16 = arith.mulf %mul3A, %add3A_15 : vector<1024x128xf32>
    %mul3A_17 = arith.mulf %rsqrt3A, %rsqrt3A : vector<1024x1xf32>
    %get3A_18 = arith.constant 0 : index
    %get3A_19 = arith.constant 0 : index
    %get3A_20 = vector.load %arg3[%get3A_18, %get3A_19] : memref<1024x128xf32, #tpu.memory_space<vmem>>, vector<1024x128xf32>
    %mul3A_21 = vector.broadcast %mul3A_17 : vector<1024x1xf32> to vector<1024x128xf32>
    %mul3A_22 = arith.mulf %mul3A_21, %get3A_20 : vector<1024x128xf32>
    %add3A_23 = arith.addf %mul3A_16, %mul3A_22 : vector<1024x128xf32>
    %get3A_24 = arith.constant 0 : index
    %get3A_25 = arith.constant 0 : index
    %get3A_26 = vector.load %arg6[%get3A_24, %get3A_25] : memref<1x128xf32, #tpu.memory_space<vmem>>, vector<1x128xf32>
    %add3A_27 = vector.broadcast %get3A_26 : vector<1x128xf32> to vector<1024x128xf32>
    %add3A_28 = arith.addf %add3A_23, %add3A_27 : vector<1024x128xf32>
    %max3A = arith.constant 0.000000e+00 : f32
    %max3A_29 = vector.broadcast %max3A : f32 to vector<1024x128xf32>
    %max3A_30 = arith.maximumf %add3A_28, %max3A_29 : vector<1024x128xf32>
    %swap3A = arith.constant 0 : index
    %swap3A_31 = arith.constant 0 : index
    %swap3A_32 = vector.load %arg7[%swap3A, %swap3A_31] : memref<1024x128xf32, #tpu.memory_space<vmem>>, vector<1024x128xf32>
    tpu.vector_store %arg7[%swap3A, %swap3A_31], %max3A_30 {strides = array<i32>} : memref<1024x128xf32, #tpu.memory_space<vmem>>, vector<1024x128xf32>,
    %mul3A_33 = vector.broadcast %rsqrt3A : vector<1024x1xf32> to vector<1024x128xf32>
    %mul3A_34 = arith.mulf %max3A_30, %mul3A_33 : vector<1024x128xf32>
    %swap3A_35 = arith.constant 0 : index
    %swap3A_36 = arith.constant 0 : index
    %swap3A_37 = vector.load %arg8[%swap3A_35, %swap3A_36] : memref<1024x128xf32, #tpu.memory_space<vmem>>, vector<1024x128xf32>
    tpu.vector_store %arg8[%swap3A_35, %swap3A_36], %mul3A_34 {strides = array<i32>} : memref<1024x128xf32, #tpu.memory_space<vmem>>, vector<1024x128xf32>,
    return
  }
  func.func @transform_0(%arg0: i32) -> (i32, i32) {
    %c0_i32 = arith.constant 0 : i32
    %c0_i32_0 = arith.constant 0 : i32
    return %arg0, %c0_i32 : i32, i32
  }
  func.func @transform_1(%arg0: i32) -> (i32, i32) {
    %c0_i32 = arith.constant 0 : i32
    %c0_i32_0 = arith.constant 0 : i32
    return %arg0, %c0_i32 : i32, i32
  }
  func.func @transform_2(%arg0: i32) -> (i32, i32) {
    %c0_i32 = arith.constant 0 : i32
    %c0_i32_0 = arith.constant 0 : i32
    return %arg0, %c0_i32 : i32, i32
  }
  func.func @transform_3(%arg0: i32) -> (i32, i32) {
    %c0_i32 = arith.constant 0 : i32
    %c0_i32_0 = arith.constant 0 : i32
    return %arg0, %c0_i32 : i32, i32
  }
  func.func @transform_4(%arg0: i32) -> (i32, i32) {
    %c0_i32 = arith.constant 0 : i32
    %c0_i32_0 = arith.constant 0 : i32
    return %arg0, %c0_i32 : i32, i32
  }
  func.func @transform_5(%arg0: i32) -> (i32, i32) {
    %c0_i32 = arith.constant 0 : i32
    %c0_i32_0 = arith.constant 0 : i32
    %c0_i32_1 = arith.constant 0 : i32
    return %c0_i32, %c0_i32_0 : i32, i32
  }
  func.func @transform_6(%arg0: i32) -> (i32, i32) {
    %c0_i32 = arith.constant 0 : i32
    %c0_i32_0 = arith.constant 0 : i32
    return %arg0, %c0_i32 : i32, i32
  }
  func.func @transform_7(%arg0: i32) -> (i32, i32) {
    %c0_i32 = arith.constant 0 : i32
    %c0_i32_0 = arith.constant 0 : i32
    return %arg0, %c0_i32 : i32, i32
  }
}

module attributes {stable_mosaic.version = 14 : i64} {
  func.func @_final_body(%arg0: i32, %arg1: memref<1024x128xf32, #tpu.memory_space<vmem>>, %arg2: memref<1024x128xf32, #tpu.memory_space<vmem>>, %arg3: memref<1024x128xf32, #tpu.memory_space<vmem>>, %arg4: memref<1024x16xf32, #tpu.memory_space<vmem>>, %arg5: memref<1024x16xf32, #tpu.memory_space<vmem>>, %arg6: memref<128x256xf32, #tpu.memory_space<vmem>>, %arg7: memref<1x256xf32, #tpu.memory_space<vmem>>, %arg8: memref<256x128xf32, #tpu.memory_space<vmem>>, %arg9: memref<1x128xf32, #tpu.memory_space<vmem>>, %arg10: memref<1024x128xf32, #tpu.memory_space<vmem>>) attributes {dimension_semantics = [#tpu.dimension_semantics<arbitrary>], iteration_bounds = array<i64: 10>, scalar_prefetch = 0 : i64, scratch_operands = 0 : i64, tpu.core_type = #tpu.core_type<tc>, window_params = [{transform_indices = @transform_0, window_bounds = array<i64: 1024, 128>}, {transform_indices = @transform_1, window_bounds = array<i64: 1024, 128>}, {transform_indices = @transform_2, window_bounds = array<i64: 1024, 128>}, {transform_indices = @transform_3, window_bounds = array<i64: 1024, 16>}, {transform_indices = @transform_4, window_bounds = array<i64: 1024, 16>}, {pipeline_mode = #tpu.pipeline_mode<synchronous>, transform_indices = @transform_5, window_bounds = array<i64: 128, 256>}, {pipeline_mode = #tpu.pipeline_mode<synchronous>, transform_indices = @transform_6, window_bounds = array<i64: 1, 256>}, {pipeline_mode = #tpu.pipeline_mode<synchronous>, transform_indices = @transform_7, window_bounds = array<i64: 256, 128>}, {pipeline_mode = #tpu.pipeline_mode<synchronous>, transform_indices = @transform_8, window_bounds = array<i64: 1, 128>}, {transform_indices = @transform_9, window_bounds = array<i64: 1024, 128>}]} {
    %get3A = arith.constant 0 : index
    %get3A_0 = arith.constant 0 : index
    %get3A_1 = vector.load %arg4[%get3A, %get3A_0] : memref<1024x16xf32, #tpu.memory_space<vmem>>, vector<1024x16xf32>
    %get3A_2 = arith.constant 0 : index
    %get3A_3 = arith.constant 0 : index
    %get3A_4 = vector.load %arg5[%get3A_2, %get3A_3] : memref<1024x16xf32, #tpu.memory_space<vmem>>, vector<1024x16xf32>
    %slice3A = vector.extract_strided_slice %get3A_1 {offsets = [0, 0], sizes = [1024, 1], strides = [1, 1]} : vector<1024x16xf32> to vector<1024x1xf32>
    %slice3A_5 = vector.extract_strided_slice %get3A_4 {offsets = [0, 0], sizes = [1024, 1], strides = [1, 1]} : vector<1024x16xf32> to vector<1024x1xf32>
    %add3A = arith.addf %slice3A, %slice3A_5 : vector<1024x1xf32>
    %add3A_6 = arith.constant 1.000000e+00 : f32
    %add3A_7 = vector.broadcast %add3A_6 : f32 to vector<1024x1xf32>
    %add3A_8 = arith.addf %add3A, %add3A_7 : vector<1024x1xf32>
    %rsqrt3A = math.rsqrt %add3A_8 : vector<1024x1xf32>
    %get3A_9 = arith.constant 0 : index
    %get3A_10 = arith.constant 0 : index
    %get3A_11 = vector.load %arg1[%get3A_9, %get3A_10] : memref<1024x128xf32, #tpu.memory_space<vmem>>, vector<1024x128xf32>
    %get3A_12 = arith.constant 0 : index
    %get3A_13 = arith.constant 0 : index
    %get3A_14 = vector.load %arg2[%get3A_12, %get3A_13] : memref<1024x128xf32, #tpu.memory_space<vmem>>, vector<1024x128xf32>
    %add3A_15 = arith.addf %get3A_11, %get3A_14 : vector<1024x128xf32>
    %mul3A = vector.broadcast %rsqrt3A : vector<1024x1xf32> to vector<1024x128xf32>
    %mul3A_16 = arith.mulf %mul3A, %add3A_15 : vector<1024x128xf32>
    %mul3A_17 = arith.mulf %rsqrt3A, %rsqrt3A : vector<1024x1xf32>
    %get3A_18 = arith.constant 0 : index
    %get3A_19 = arith.constant 0 : index
    %get3A_20 = vector.load %arg3[%get3A_18, %get3A_19] : memref<1024x128xf32, #tpu.memory_space<vmem>>, vector<1024x128xf32>
    %mul3A_21 = vector.broadcast %mul3A_17 : vector<1024x1xf32> to vector<1024x128xf32>
    %mul3A_22 = arith.mulf %mul3A_21, %get3A_20 : vector<1024x128xf32>
    %add3A_23 = arith.addf %mul3A_16, %mul3A_22 : vector<1024x128xf32>
    %get3A_24 = arith.constant 0 : index
    %get3A_25 = arith.constant 0 : index
    %get3A_26 = vector.load %arg6[%get3A_24, %get3A_25] : memref<128x256xf32, #tpu.memory_space<vmem>>, vector<128x256xf32>
    %dot_general3A = arith.constant dense<0.000000e+00> : vector<1024x256xf32>
    %dot_general3A_27 = tpu.matmul %add3A_23, %get3A_26, %dot_general3A {dimension_numbers = #tpu.dot_dimension_numbers<[1], [0], [0], [1], [0, 0, 1, 1], [], []>, transpose_lhs_hint = false} : vector<1024x128xf32>, vector<128x256xf32>, vector<1024x256xf32> -> vector<1024x256xf32>
    %get3A_28 = arith.constant 0 : index
    %get3A_29 = arith.constant 0 : index
    %get3A_30 = vector.load %arg7[%get3A_28, %get3A_29] : memref<1x256xf32, #tpu.memory_space<vmem>>, vector<1x256xf32>
    %add3A_31 = vector.broadcast %get3A_30 : vector<1x256xf32> to vector<1024x256xf32>
    %add3A_32 = arith.addf %dot_general3A_27, %add3A_31 : vector<1024x256xf32>
    %max3A = arith.constant 0.000000e+00 : f32
    %max3A_33 = vector.broadcast %max3A : f32 to vector<1024x256xf32>
    %max3A_34 = arith.maximumf %add3A_32, %max3A_33 : vector<1024x256xf32>
    %get3A_35 = arith.constant 0 : index
    %get3A_36 = arith.constant 0 : index
    %get3A_37 = vector.load %arg8[%get3A_35, %get3A_36] : memref<256x128xf32, #tpu.memory_space<vmem>>, vector<256x128xf32>
    %dot_general3A_38 = arith.constant dense<0.000000e+00> : vector<1024x128xf32>
    %dot_general3A_39 = tpu.matmul %max3A_34, %get3A_37, %dot_general3A_38 {dimension_numbers = #tpu.dot_dimension_numbers<[1], [0], [0], [1], [0, 0, 1, 1], [], []>, transpose_lhs_hint = false} : vector<1024x256xf32>, vector<256x128xf32>, vector<1024x128xf32> -> vector<1024x128xf32>
    %get3A_40 = arith.constant 0 : index
    %get3A_41 = arith.constant 0 : index
    %get3A_42 = vector.load %arg9[%get3A_40, %get3A_41] : memref<1x128xf32, #tpu.memory_space<vmem>>, vector<1x128xf32>
    %add3A_43 = vector.broadcast %get3A_42 : vector<1x128xf32> to vector<1024x128xf32>
    %add3A_44 = arith.addf %dot_general3A_39, %add3A_43 : vector<1024x128xf32>
    %swap3A = arith.constant 0 : index
    %swap3A_45 = arith.constant 0 : index
    %swap3A_46 = vector.load %arg10[%swap3A, %swap3A_45] : memref<1024x128xf32, #tpu.memory_space<vmem>>, vector<1024x128xf32>
    tpu.vector_store %arg10[%swap3A, %swap3A_45], %add3A_44 {strides = array<i32>} : memref<1024x128xf32, #tpu.memory_space<vmem>>, vector<1024x128xf32>,
    return
  }
  func.func @transform_0(%arg0: i32) -> (i32, i32) {
    %c0_i32 = arith.constant 0 : i32
    %c0_i32_0 = arith.constant 0 : i32
    return %arg0, %c0_i32 : i32, i32
  }
  func.func @transform_1(%arg0: i32) -> (i32, i32) {
    %c0_i32 = arith.constant 0 : i32
    %c0_i32_0 = arith.constant 0 : i32
    return %arg0, %c0_i32 : i32, i32
  }
  func.func @transform_2(%arg0: i32) -> (i32, i32) {
    %c0_i32 = arith.constant 0 : i32
    %c0_i32_0 = arith.constant 0 : i32
    return %arg0, %c0_i32 : i32, i32
  }
  func.func @transform_3(%arg0: i32) -> (i32, i32) {
    %c0_i32 = arith.constant 0 : i32
    %c0_i32_0 = arith.constant 0 : i32
    return %arg0, %c0_i32 : i32, i32
  }
  func.func @transform_4(%arg0: i32) -> (i32, i32) {
    %c0_i32 = arith.constant 0 : i32
    %c0_i32_0 = arith.constant 0 : i32
    return %arg0, %c0_i32 : i32, i32
  }
  func.func @transform_5(%arg0: i32) -> (i32, i32) {
    %c0_i32 = arith.constant 0 : i32
    %c0_i32_0 = arith.constant 0 : i32
    %c0_i32_1 = arith.constant 0 : i32
    return %c0_i32, %c0_i32_0 : i32, i32
  }
  func.func @transform_6(%arg0: i32) -> (i32, i32) {
    %c0_i32 = arith.constant 0 : i32
    %c0_i32_0 = arith.constant 0 : i32
    %c0_i32_1 = arith.constant 0 : i32
    return %c0_i32, %c0_i32_0 : i32, i32
  }
  func.func @transform_7(%arg0: i32) -> (i32, i32) {
    %c0_i32 = arith.constant 0 : i32
    %c0_i32_0 = arith.constant 0 : i32
    %c0_i32_1 = arith.constant 0 : i32
    return %c0_i32, %c0_i32_0 : i32, i32
  }
  func.func @transform_8(%arg0: i32) -> (i32, i32) {
    %c0_i32 = arith.constant 0 : i32
    %c0_i32_0 = arith.constant 0 : i32
    %c0_i32_1 = arith.constant 0 : i32
    return %c0_i32, %c0_i32_0 : i32, i32
  }
  func.func @transform_9(%arg0: i32) -> (i32, i32) {
    %c0_i32 = arith.constant 0 : i32
    %c0_i32_0 = arith.constant 0 : i32
    return %arg0, %c0_i32 : i32, i32
  }
}

</mosaic_0001>

<sc_bundles>
// kernel: kernel.11.cloned.1.call-start
scs
__scs_entry_jumppad:
0x0: {  	(pc) =	sbr.rel $0x88, $3  }
0x1: {  	(tag) =	ssettag $0x0;
	lr =	simm.s32 $0x1  }
0x2: {  	[smem:$0x3F99] =	sst lr;
	_ =	strace $0xD0000000  }
0x3: {  	_ = 	snop  }
0x4: {  	_ = 	snop  }
0x5: {  	_ = 	snop  }
0x6: {  	_ = 	snop  }
0x7: {  	_ = 	snop  }
__scs_overlays_trampoline_lowered:
0x8: {  	[smem:$0x3FA8] =	sst s0  }
0x9: {  	[smem:$0x3FA9] =	sst s1  }
0xa: {  	[smem:$0x3FAA] =	sst s2  }
0xb: {  	[smem:$0x3FAB] =	sst s3  }
0xc: {  	[smem:$0x3FAC] =	sst s4  }
0xd: {  	[smem:$0x3FAD] =	sst s5  }
0xe: {  	[smem:$0x3FAE] =	sst s6  }
0xf: {  	[smem:$0x3FAF] =	sst s7  }
0x10: {  	[smem:$0x3FB0] =	sst s8  }
0x11: {  	[smem:$0x3FB1] =	sst s9;
	s0 =	simm.s32 @!p0 $0x0  }
0x12: {  	s1 =	sld [smem:$0x3F97];
	s0 =	simm.s32 @p0 $0x1  }
0x13: {  	[smem:$0x3FB2] =	sst s0;
	s0 =	simm.s32 @!p1 $0x0  }
0x14: {  	s2 =	sld [smem:$0x3F96];
	s0 =	simm.s32 @p1 $0x1  }
0x15: {  	[smem:$0x3FB3] =	sst s0;
	s0 =	simm.s32 @!p2 $0x0  }
0x16: {  	s3 =	sld [smem:$0x3FDB];
	s0 =	simm.s32 @p2 $0x1  }
0x17: {  	s4 =	simm.s32 $0x1BF5;
	[smem:$0x3FB5] =	sst s0  }
0x18: {  	s0 =	sld [smem:$0x3F98];
	_ =	swait.ge [sflag:s4], $0x0  }
0x19: {  	s7 =	sld [smem:$0x3F99]  }
0x1a: {  	s8 =	sadd.s32 $0xFFFFE003, lr  }
0x1b: {  	s9 =	sadd.s32 $0xFFFFFEF7, lr;
	s5 =	simm.s32 $0xFFFFFFFF;
	p2 =	slt.u32 s8, $0xFFFFF086  }
0x1c: {  	p1 =	slt.u32 s9, $0xF7A;
	s5 =	simm.s32 @!p2 $0x0  }
0x1d: {  	s5 =	simm.s32 @p1 $0x1;
	p0 =	seq.s32 s7, s2  }
0x1e: {  	s7 =	smul.u32 @!p0 $0xF7A, s2;
	p2 =	seq.s32 @!p0 s5, $0x0  }
0x1f: {  	s9 =	smul.u32 $0xF7A, s1;
	s8 =	simm.s32 @!p0 $0x1BF5;
	p2 =	por !p2, p0  }
0x20: {  	[sflag:s8] =	ssyncset.s32 @!p0 $0xFFFFF086;
	s6 =	sadd.s32 @!p0 s3, s7;
	s7 =	simm.s32 @!p0 $0x108  }
0x21: {  	s3 =	sadd.s32 s3, s9;
	s6 =	sadd.s32 @!p0 $0x88, s6;
	s7 =	simm.s32 @p2 $0x1082  }
0x22: {  	[simem:s7], [sflag:s8] =	dma.local @!p0 [hbm:s6], $0xF7A  }
0x23: {  	s9 =	sor.u32 $0xD0000000, s2;
	s6 =	simm.s32 $0x108;
	_ =	swait.ge @!p0 [sflag:s8], $0x0  }
0x24: {  	s3 =	sadd.s32 $0x88, s3;
	s6 =	simm.s32 @!p1 $0x1082;
	[sflag:s4] =	ssyncset.s32 $0xFFFFF086  }
0x25: {  	[simem:s6], [sflag:s4] =	dma.local [hbm:s3], $0xF7A  }
0x26: {  	[smem:$0x3F99] =	sst s1;
	(tag) =	ssettag s2;
	_ =	strace s9  }
0x27: {  	s1 =	sld [smem:$0x3FA9]  }
0x28: {  	s2 =	sld [smem:$0x3FAA]  }
0x29: {  	s4 =	sld [smem:$0x3FAC]  }
0x2a: {  	p0 =	seq.s32 s5, $0x0;
	s5 =	sld [smem:$0x3FAD]  }
0x2b: {  	s6 =	sld [smem:$0x3FAE]  }
0x2c: {  	s7 =	sld [smem:$0x3FAF]  }
0x2d: {  	s3 =	simm.s32 $0x108;
	s8 =	sld [smem:$0x3FB0]  }
0x2e: {  	s3 =	simm.s32 @!p0 $0x1082;
	s9 =	sld [smem:$0x3FB1]  }
0x2f: {  	lr =	sadd.s32 s0, s3;
	s0 =	sld [smem:$0x3FA8]  }
0x30: {  	s3 =	sld [smem:$0x3FAB]  }
0x31: {  	[smem:$0x3FB4] =	sst s10  }
0x32: {  	s10 =	sld [smem:$0x3FB2];
	_ =	sdelay $0x3  }
0x33: {  	p0 =	seq.s32 s10, $0x1;
	s10 =	sld [smem:$0x3FB4];
	_ =	sdelay $0x3  }
0x34: {  	[smem:$0x3FB4] =	sst s10  }
0x35: {  	s10 =	sld [smem:$0x3FB3];
	_ =	sdelay $0x3  }
0x36: {  	p1 =	seq.s32 s10, $0x1;
	s10 =	sld [smem:$0x3FB4];
	_ =	sdelay $0x3  }
0x37: {  	[smem:$0x3FB4] =	sst s10  }
0x38: {  	s10 =	sld [smem:$0x3FB5]  }
0x39: {  	_ = 	snop;
	(pc) =	sbr.ind lr, $3  }
0x3a: {  	_ = 	snop  }
0x3b: {  	_ = 	snop  }
0x3c: {  	p2 =	seq.s32 s10, $0x1;
	s10 =	sld [smem:$0x3FB4]  }
0x3d: {  	_ =	shalt  }
0x3e: {  	_ =	shalt  }
0x3f: {  	_ =	shalt  }
0x40: {  	_ =	shalt  }
0x41: {  	_ =	shalt  }
0x42: {  	_ =	shalt  }
0x43: {  	_ =	shalt  }
0x44: {  	_ =	shalt  }
0x45: {  	_ =	shalt  }
0x46: {  	_ =	shalt  }
0x47: {  	_ =	shalt  }
0x48: {  	_ =	shalt  }
0x49: {  	_ =	shalt  }
0x4a: {  	_ =	shalt  }
0x4b: {  	_ =	shalt  }
0x4c: {  	_ =	shalt  }
0x4d: {  	_ =	shalt  }
0x4e: {  	_ =	shalt  }
0x4f: {  	_ =	shalt  }
0x50: {  	_ =	shalt  }
0x51: {  	_ =	shalt  }
0x52: {  	_ =	shalt  }
0x53: {  	_ =	shalt  }
0x54: {  	_ =	shalt  }
0x55: {  	_ =	shalt  }
0x56: {  	_ =	shalt  }
0x57: {  	_ =	shalt  }
0x58: {  	_ =	shalt  }
0x59: {  	_ =	shalt  }
0x5a: {  	_ =	shalt  }
0x5b: {  	_ =	shalt  }
0x5c: {  	_ =	shalt  }
0x5d: {  	_ =	shalt  }
0x5e: {  	_ =	shalt  }
0x5f: {  	_ =	shalt  }
0x60: {  	_ =	shalt  }
0x61: {  	_ =	shalt  }
0x62: {  	_ =	shalt  }
0x63: {  	_ =	shalt  }
0x64: {  	_ =	shalt  }
0x65: {  	_ =	shalt  }
0x66: {  	_ =	shalt  }
0x67: {  	_ =	shalt  }
0x68: {  	_ =	shalt  }
0x69: {  	_ =	shalt  }
0x6a: {  	_ =	shalt  }
0x6b: {  	_ =	shalt  }
0x6c: {  	_ =	shalt  }
0x6d: {  	_ =	shalt  }
0x6e: {  	_ =	shalt  }
0x6f: {  	_ =	shalt  }
0x70: {  	_ =	shalt  }
0x71: {  	_ =	shalt  }
0x72: {  	_ =	shalt  }
0x73: {  	_ =	shalt  }
0x74: {  	_ =	shalt  }
0x75: {  	_ =	shalt  }
0x76: {  	_ =	shalt  }
0x77: {  	_ =	shalt  }
0x78: {  	_ =	shalt  }
0x79: {  	_ =	shalt  }
0x7a: {  	_ =	shalt  }
0x7b: {  	_ =	shalt  }
0x7c: {  	_ =	shalt  }
0x7d: {  	_ =	shalt  }
0x7e: {  	_ =	shalt  }
0x7f: {  	_ =	shalt  }
0x80: {  	_ =	shalt  }
0x81: {  	_ =	shalt  }
0x82: {  	_ =	shalt  }
0x83: {  	_ =	shalt  }
0x84: {  	_ =	shalt  }
0x85: {  	_ =	shalt  }
0x86: {  	_ =	shalt  }
0x87: {  	_ =	shalt  }
.Lfunc_end0:
.L_simem_size_0:
called_computation.1_lowered:
.L_overlay_start_0:
0x88: {  	s2 =	sld [smem:$0x3FD9]  }
0x89: {  	s3 =	sld [smem:$0x3FFE];
	_ =	sdelay $0x1  }
0x8a: {  	s1 =	srdreg.scid  }
0x8b: {  	s0 =	sand.u32 $0x1, s1  }
0x8c: {  	s17 =	sshll.u32 s0, $0xA;
	s2 =	sadd.s32 s3, s2  }
0x8d: {  	s2 =	sadd.s32 s2, s17  }
0x8e: {  	[smem:$0x3FC0] =	sst s2  }
0x8f: {  	_ = 	snop  }
0x90: {  	s2 =	sld [smem:$0x3FD0];
	(tm) =	ssettm $0x1  }
0x91: {  	s18 =	sld [smem:$0x3FFB];
	_ =	sdelay $0x3  }
0x92: {  	_ =	strace s18  }
0x93: {  	s3 =	sld [smem:$0x3FFC];
	_ =	sdelay $0x3  }
0x94: {  	_ =	strace s3  }
0x95: {  	s3 =	sld [smem:$0x3FFD];
	_ =	sdelay $0x3  }
0x96: {  	_ =	strace s3  }
0x97: {  	_ =	strace $0x8FFFFFFF  }
0x98: {  	s19 =	sld [smem:$0x3FDB];
	_ =	sdelay $0x1  }
0x99: {  	s4 =	simm.s32 $_scs_section_size  }
0x9a: {  	s5 =	simm.s32 $_size__tile_overlayer_lowered;
	s6 =	simm.s32 $_tile_overlayer_lowered  }
0x9b: {  	s22 =	simm.s32 $0x1BFF;
	s21 =	sshll.u32 s6, $0x1;
	s3 =	sadd.s32 s4, s19  }
0x9c: {  	s7 =	simm.s32 $0x0;
	s20 =	sshll.u32 s5, $0x1;
	s5 =	sadd.s32 s21, s3  }
0x9d: {  	[timem:s7], [sflag:s22] =	dma.local [hbm:s5], s20  }
0x9e: {  	_ =	swait.ge [sflag:s22], s20  }
0x9f: {  	s4 =	ssub.s32 $0x0, s20;
	[sflag:s22] =	ssyncset.done $0x0  }
0xa0: {  	[sflag:s22] =	ssyncadd.s32 s4;
	_ =	sdelay $0x1  }
0xa1: {  	s23 =	simm.s32 $0x1B8B  }
0xa2: {  	_ =	swait.ge [sflag:s23], $0x1  }
0xa3: {  	[sflag:s23] =	ssyncset.done $0x0  }
0xa4: {  	s25 =	simm.s32 $0x1B8E;
	s24 =	sld [smem:$0x3FFE];
	[sflag:s23] =	ssyncadd.s32 $0xFFFFFFFF  }
0xa5: {  	s26 =	simm.s32 $execute0_lowered;
	[smem:$0x3FD2] =	sst s25  }
0xa6: {  	s5 =	sshll.u32 s26, $0x1;
	_ =	strace $0x80000049;
	[dreg:$0x1] =	wrdreg $0xFFFFFFFF  }
0xa7: {  	s28 =	simm.s32 $_size_execute0_lowered;
	s3 =	sadd.s32 s3, s5;
	[dreg:$0x0] =	wrdreg $0x0  }
0xa8: {  	s5 =	sshll.u32 s28, $0x1;
	[dreg:$0x2] =	wrdreg s3  }
0xa9: {  	[dreg:$0x3] =	wrdreg s5  }
0xaa: {  	[dreg:$0x4] =	wrdreg $0xC0  }
0xab: {  	_ =	task [dreg:s7], $0x5FFFF  }
0xac: {  	[dreg:$0x1] =	wrdreg $0xFFFFFFFF  }
0xad: {  	[dreg:$0x0] =	wrdreg $0x60  }
0xae: {  	[dreg:$0x2] =	wrdreg s24  }
0xaf: {  	[dreg:$0x3] =	wrdreg s2  }
0xb0: {  	[dreg:$0x4] =	wrdreg $0xA9000  }
0xb1: {  	[dreg:$0x5] =	wrdreg $0x9  }
0xb2: {  	_ =	task.clear_ibuf [dreg:s7], $0x6FFFF;
	_ =	strace $0x90000049  }
0xb3: {  	s29 =	simm.s32 $0x9;
	_ =	strace $0x8000004B  }
0xb4: {  	_ =	swait.ge [sflag:s29], $0x1  }
0xb5: {  	[sflag:s29] =	ssyncadd.s32 $0xFFFFFFFF  }
0xb6: {  	_ =	strace $0x9000004B  }
0xb7: {  	_ =	sfence  }
0xb8: {  	s30 =	sld [smem:$0x0];
	_ =	sdelay $0x2  }
0xb9: {  	s31 =	sshll.u32 s1, $0xD;
	s1 =	sshrl.u32 s1, $0x2  }
0xba: {  	s3 =	sand.u32 $0x4000, s31;
	s1 =	sadd.s32 s1, s30  }
0xbb: {  	s0 =	sor.u32 s3, s0;
	s1 =	sshll.u32 s1, $0x11  }
0xbc: {  	s0 =	sor.u32 s1, s0  }
0xbd: {  	s0 =	sadd.s32 $0x8F2B, s0  }
0xbe: {  	[sflag:s0] =	ssyncadd.remote.s32 $0x1  }
0xbf: {  	_ =	sfence.sel $0xFFFF  }
0xc0: {  	[dreg:$0x0] =	wrdreg $0xFFFFFFFF;
	(pc) =	sbr.abs _section_cstart, $3  }
0xc1: {  	[dreg:$0x1] =	wrdreg $0xFFFFFFFF  }
0xc2: {  	_ =	task.clear_ibuf [dreg:s7], $0x2FFFF;
	_ =	strace $0x9FFFFFFF  }
0xc3: {  	(tm) =	ssettm $0x7FFFFFFF  }
tec
execute0_lowered:
.L_overlay_start_1:
0x0: {  	(tag) =	ssettag $0x1  }
0x1: {  	s1 =	rddreg [dreg:$0x0]  }
0x2: {  	s0 =	srdreg.scid;
	s2 =	rddreg [dreg:$0x1]  }
0x3: {  	s14 =	stileid.u32;
	s3 =	rddreg [dreg:$0x2];
	s17 =	simm.s32 $0x2900  }
0x4: {  	s18 =	simm.s32 $0x2800;
	s19 =	simm.s32 $0x80;
	s20 =	simm.s32 $0x6900  }
0x5: {  	s21 =	simm.s32 $0x2880;
	s22 =	simm.s32 $0x1;
	s23 =	simm.s32 $0x3  }
0x6: {  	s24 =	simm.s32 $0x2;
	s25 =	simm.s32 $0x4;
	s28 =	simm.s32 $0x0  }
0x7: {  	s0 =	sand.u32 $0x1, s0;
	s7 =	sshll.u32 s14, $0x7;
	s8 =	smul.u32 $0x14000, s14  }
0x8: {  	s26 =	smul.u32 $0x50000, s14;
	s31 =	sshll.u32 s14, $0x6;
	s4 =	sshll.u32 s0, $0x4  }
0x9: {  	s7 =	sand.u32 $0x380, s7;
	s10 =	smul.u32 $0x140000, s0;
	s0 =	ssub.s32 $0x2, s0  }
0xa: {  	s15 =	sor.u32 $0x1C05, s31;
	s6 =	sor.u32 s14, s4;
	s4 =	simm.s32 $0x0  }
0xb: {  	s9 =	sshrl.u32 s8, $0x3;
	s11 =	sshrl.u32 s0, $0x1;
	s29 =	sshrl.u32 s26, $0x2  }
0xc: {  	s14 =	simm.s32 $0x5;
	s5 =	sshrl.u32 s6, $0x3;
	[smem:$0x7FF] =	sst s4  }
0xd: {  	s9 =	sadd.s32 s9, s1;
	s8 =	sadd.s32 s8, s10;
	s5 =	smul.u32 $0x14000, s5  }
0xe: {  	s6 =	smul.u32 $0x2800, s6;
	s0 =	ssub.s32 s0, s11;
	s13 =	sadd.s32 s29, s3  }
0xf: {  	_ =	strace $0x8000004A;
	s8 =	sshrl.u32 s8, $0x3;
	s5 =	sor.u32 s7, s5  }
0x10: {  	s11 =	smax.u32 s0, $0x1;
	s16 =	sshrl.u32 s13, $0x3;
	s7 =	sshrl.u32 s5, $0x3  }
0x11: {  	s30 =	sshrl.u32 s6, $0x3;
	s5 =	sadd.s32 $0x52A00, s1;
	s7 =	sadd.s32 s7, s1  }
0x12: {  	s1 =	sadd.s32 s8, s1;
	s8 =	sadd.s32 $0xACA00, s9;
	s9 =	sadd.s32 s2, s30  }
0x13: {  	s7 =	sadd.s32 $0x7AA00, s7;
	s10 =	sadd.s32 $0xD4A00, s1;
	s12 =	sadd.s32 $0x4F0, s9  }
.LBB2_1:
0x14: {  	s0 =	simm.s32 $0x400  }
0x15: {  	[tilespmem:s4], [sflag:$0x5] =	stream.strided.gather [hbm4b:s7+s19], $0x2800, s0, s19, $0x38;
	[tilespmem:$0x1E900] =	vst v63  }
0x16: {  	_ =	swait.ge [sflag:s14], $0x2800  }
0x17: {  	[sflag:s14] =	ssyncset.done $0x0  }
0x18: {  	[sflag:s14] =	ssyncadd.s32 $0xFFFFD800  }
0x19: {  	[spmem:s16], [sflag:s15] =	dma.local [hbm:s8], $0x2800  }
0x1a: {  	_ =	swait.ge [sflag:s14], $0x2800  }
0x1b: {  	s13 =	simm.s32 $0x0;
	[sflag:s14] =	ssyncset.done $0x0  }
0x1c: {  	s1 =	simm.s32 $0x80;
	s0 =	sand.u32 $0x3C00, s13;
	[sflag:s14] =	ssyncadd.s32 $0xFFFFD800  }
0x1d: {  	s1 =	sand.u32 $0x380, s1;
	s0 =	sadd.s32 s6, s0;
	[bflag:$0x0] =	sbarrier.arrive $0xFFFF  }
0x1e: {  	[tilespmem:s17], [sflag:$0x1] =	stream.indirect.gather [hbm4b:s5+s19], $0x80, s4, s19, $0xb8;
	[tilespmem:$0x1E900] =	vst v63  }
0x1f: {  	s0 =	sor.u32 s0, s1  }
0x20: {  	[tilespmem:s18], [sflag:$0x3] =	stream.linear.gather [hbm4b:s9+s4], $0x80, $0x38;
	[tilespmem:$0x1E900] =	vst v63  }
0x21: {  	s0 =	sshrl.u32 s0, $0x3  }
0x22: {  	[tilespmem:s20], [sflag:$0x2] =	stream.indirect.gather [hbm4b:s5+s19], $0x80, s19, s19, $0xb8;
	[tilespmem:$0x1E900] =	vst v63  }
0x23: {  	s0 =	sadd.s32 s2, s0  }
0x24: {  	[tilespmem:s21], [sflag:$0x4] =	stream.linear.gather [hbm4b:s0+s4], $0x80, $0x38;
	[tilespmem:$0x1E900] =	vst v63  }
0x25: {  	_ =	swait.ge [sflag:s22], $0x4000  }
0x26: {  	[sflag:s22] =	ssyncset.done $0x0  }
0x27: {  	[sflag:s22] =	ssyncadd.s32 $0xFFFFC000  }
0x28: {  	_ =	swait.ge [sflag:s23], $0x80  }
0x29: {  	s26 =	simm.s32 $0x100;
	[sflag:s23] =	ssyncset.done $0x0  }
0x2a: {  	s13 =	sand.u32 $0x7C00, s26;
	[sflag:s23] =	ssyncadd.s32 $0xFFFFFF80  }
0x2b: {  	[spmem:s3] =	stream.indirect.scatter.add.f32 [tilespmem:s17], [sflag:$0x5], $0x80, s18, s19, $0xb8;
	[tilespmem:$0x1E900] =	vst v63  }
0x2c: {  	s1 =	sadd.s32 s6, s13;
	s0 =	sand.u32 $0x300, s26;
	_ =	swait.ge [sflag:s14], $0x4000  }
0x2d: {  	s0 =	sor.u32 s0, s1;
	[sflag:s14] =	ssyncset.done $0x0  }
0x2e: {  	s13 =	simm.s32 $0x100;
	s0 =	sshrl.u32 s0, $0x3;
	[sflag:s14] =	ssyncadd.s32 $0xFFFFC000  }
0x2f: {  	[tilespmem:s17], [sflag:$0x1] =	stream.indirect.gather [hbm4b:s5+s19], $0x80, s13, s19, $0xb8;
	[tilespmem:$0x1E900] =	vst v63  }
0x30: {  	s0 =	sadd.s32 s2, s0  }
0x31: {  	[tilespmem:s18], [sflag:$0x3] =	stream.linear.gather [hbm4b:s0+s4], $0x80, $0x38;
	[tilespmem:$0x1E900] =	vst v63  }
0x32: {  	_ =	swait.ge [sflag:s24], $0x4000  }
0x33: {  	s30 =	simm.s32 $0x200;
	s31 =	simm.s32 $0x300;
	[sflag:s24] =	ssyncset.done $0x0  }
0x34: {  	s29 =	simm.s32 $0x180;
	s26 =	simm.s32 $0x100;
	[sflag:s24] =	ssyncadd.s32 $0xFFFFC000  }
0x35: {  	s13 =	simm.s32 $0x180;
	s0 =	sand.u32 $0x3C00, s26;
	_ =	swait.ge [sflag:s25], $0x80  }
.LBB2_2:
0x36: {  	s0 =	sadd.s32 s6, s0  }
0x37: {  	s13 =	sand.u32 $0x380, s13;
	[sflag:s25] =	ssyncset.done $0x0;
	s26 =	smov.u32 s31  }
0x38: {  	s1 =	sadd.s32 $0x100, s31;
	s0 =	sor.u32 s0, s13;
	[sflag:s25] =	ssyncadd.s32 $0xFFFFFF80  }
0x39: {  	[spmem:s3] =	stream.indirect.scatter.add.f32 [tilespmem:s20], [sflag:$0x5], $0x80, s21, s19, $0xb8;
	[tilespmem:$0x1E900] =	vst v63  }
0x3a: {  	p0 =	sne.s32 s31, $0x2700;
	s0 =	sshrl.u32 s0, $0x3;
	_ =	swait.ge [sflag:s14], $0x4000  }
0x3b: {  	[sflag:s14] =	ssyncset.done $0x0  }
0x3c: {  	[sflag:s14] =	ssyncadd.s32 $0xFFFFC000  }
0x3d: {  	[tilespmem:s20], [sflag:$0x2] =	stream.indirect.gather [hbm4b:s5+s19], $0x80, s29, s19, $0xb8;
	[tilespmem:$0x1E900] =	vst v63  }
0x3e: {  	s0 =	sadd.s32 s2, s0  }
0x3f: {  	[tilespmem:s21], [sflag:$0x4] =	stream.linear.gather [hbm4b:s0+s4], $0x80, $0x38;
	[tilespmem:$0x1E900] =	vst v63  }
0x40: {  	_ =	swait.ge [sflag:s22], $0x4000  }
0x41: {  	[sflag:s22] =	ssyncset.done $0x0  }
0x42: {  	[sflag:s22] =	ssyncadd.s32 $0xFFFFC000  }
0x43: {  	_ =	swait.ge [sflag:s23], $0x80  }
0x44: {  	[sflag:s23] =	ssyncset.done $0x0  }
0x45: {  	[sflag:s23] =	ssyncadd.s32 $0xFFFFFF80  }
0x46: {  	[spmem:s3] =	stream.indirect.scatter.add.f32 [tilespmem:s17], [sflag:$0x5], $0x80, s18, s19, $0xb8;
	[tilespmem:$0x1E900] =	vst v63  }
0x47: {  	s0 =	sand.u32 $0x7C00, s30;
	_ =	swait.ge [sflag:s14], $0x4000  }
0x48: {  	s13 =	sand.u32 $0x300, s30;
	s0 =	sadd.s32 s6, s0;
	[sflag:s14] =	ssyncset.done $0x0  }
0x49: {  	s30 =	sadd.s32 $0x80, s29;
	s0 =	sor.u32 s13, s0;
	[sflag:s14] =	ssyncadd.s32 $0xFFFFC000  }
0x4a: {  	[tilespmem:s17], [sflag:$0x1] =	stream.indirect.gather [hbm4b:s5+s19], $0x80, s30, s19, $0xb8;
	[tilespmem:$0x1E900] =	vst v63  }
0x4b: {  	s0 =	sshrl.u32 s0, $0x3;
	s30 =	smov.u32 s26  }
0x4c: {  	s0 =	sadd.s32 s2, s0  }
0x4d: {  	[tilespmem:s18], [sflag:$0x3] =	stream.linear.gather [hbm4b:s0+s4], $0x80, $0x38;
	[tilespmem:$0x1E900] =	vst v63  }
.Ltmp0:
0x4e: {  	_ = 	snop;
	(pc) =	sbr.rel @p0 .LBB2_2-.Ltmp0, $4  }
0x4f: {  	_ =	swait.ge [sflag:s24], $0x4000  }
0x50: {  	s31 =	smov.u32 s1;
	[sflag:s24] =	ssyncset.done $0x0  }
0x51: {  	s29 =	sadd.s32 $0x100, s29;
	s0 =	sadd.s32 $0xFFFFFF00, s30;
	[sflag:s24] =	ssyncadd.s32 $0xFFFFC000  }
0x52: {  	s13 =	sadd.s32 $0xFFFFFF80, s30;
	s0 =	sand.u32 $0x3C00, s0;
	_ =	swait.ge [sflag:s25], $0x80  }
0x53: {  	[sflag:s25] =	ssyncset.done $0x0  }
0x54: {  	[sflag:s25] =	ssyncadd.s32 $0xFFFFFF80  }
0x55: {  	[spmem:s3] =	stream.indirect.scatter.add.f32 [tilespmem:s20], [sflag:$0x5], $0x80, s21, s19, $0xb8;
	[tilespmem:$0x1E900] =	vst v63  }
0x56: {  	s0 =	sadd.s32 s6, s0;
	s1 =	sand.u32 $0x380, s13;
	_ =	swait.ge [sflag:s14], $0x4000  }
0x57: {  	s0 =	sor.u32 s0, s1;
	[sflag:s14] =	ssyncset.done $0x0  }
0x58: {  	s0 =	sshrl.u32 s0, $0x3;
	[sflag:s14] =	ssyncadd.s32 $0xFFFFC000  }
0x59: {  	[tilespmem:s20], [sflag:$0x2] =	stream.indirect.gather [hbm4b:s5+s19], $0x80, s29, s19, $0xb8;
	[tilespmem:$0x1E900] =	vst v63  }
0x5a: {  	s0 =	sadd.s32 s2, s0  }
0x5b: {  	[tilespmem:s21], [sflag:$0x4] =	stream.linear.gather [hbm4b:s0+s4], $0x80, $0x38;
	[tilespmem:$0x1E900] =	vst v63  }
0x5c: {  	_ =	swait.ge [sflag:s22], $0x4000  }
0x5d: {  	[sflag:s22] =	ssyncset.done $0x0  }
0x5e: {  	[sflag:s22] =	ssyncadd.s32 $0xFFFFC000  }
0x5f: {  	_ =	swait.ge [sflag:s23], $0x80  }
0x60: {  	[sflag:s23] =	ssyncset.done $0x0  }
0x61: {  	s13 =	sand.u32 $0x7C00, s30;
	[sflag:s23] =	ssyncadd.s32 $0xFFFFFF80  }
0x62: {  	[spmem:s3] =	stream.indirect.scatter.add.f32 [tilespmem:s17], [sflag:$0x5], $0x80, s18, s19, $0xb8;
	[tilespmem:$0x1E900] =	vst v63  }
0x63: {  	s26 =	sand.u32 $0x300, s30;
	s0 =	sadd.s32 s6, s13;
	_ =	swait.ge [sflag:s14], $0x4000  }
0x64: {  	s0 =	sor.u32 s26, s0;
	[sflag:s14] =	ssyncset.done $0x0  }
0x65: {  	s30 =	sadd.s32 $0x80, s29;
	s0 =	sshrl.u32 s0, $0x3;
	[sflag:s14] =	ssyncadd.s32 $0xFFFFC000  }
0x66: {  	[tilespmem:s17], [sflag:$0x1] =	stream.indirect.gather [hbm4b:s5+s19], $0x80, s30, s19, $0xb8;
	[tilespmem:$0x1E900] =	vst v63  }
0x67: {  	s0 =	sadd.s32 s2, s0  }
0x68: {  	[tilespmem:s18], [sflag:$0x3] =	stream.linear.gather [hbm4b:s0+s4], $0x80, $0x38;
	[tilespmem:$0x1E900] =	vst v63  }
0x69: {  	_ =	swait.ge [sflag:s24], $0x4000  }
0x6a: {  	[sflag:s24] =	ssyncset.done $0x0  }
0x6b: {  	[sflag:s24] =	ssyncadd.s32 $0xFFFFC000  }
0x6c: {  	_ =	swait.ge [sflag:s25], $0x80  }
0x6d: {  	[sflag:s25] =	ssyncset.done $0x0  }
0x6e: {  	[sflag:s25] =	ssyncadd.s32 $0xFFFFFF80  }
0x6f: {  	[spmem:s3] =	stream.indirect.scatter.add.f32 [tilespmem:s20], [sflag:$0x5], $0x80, s21, s19, $0xb8;
	[tilespmem:$0x1E900] =	vst v63  }
0x70: {  	_ =	swait.ge [sflag:s14], $0x4000  }
0x71: {  	[sflag:s14] =	ssyncset.done $0x0  }
0x72: {  	s31 =	simm.s32 $0x2780;
	[sflag:s14] =	ssyncadd.s32 $0xFFFFC000  }
0x73: {  	[tilespmem:s20], [sflag:$0x2] =	stream.indirect.gather [hbm4b:s5+s19], $0x80, s31, s19, $0xb8;
	[tilespmem:$0x1E900] =	vst v63  }
0x74: {  	_ = 	snop  }
0x75: {  	[tilespmem:s21], [sflag:$0x4] =	stream.linear.gather [hbm4b:s12+s4], $0x80, $0x38;
	[tilespmem:$0x1E900] =	vst v63  }
0x76: {  	_ =	swait.ge [sflag:s22], $0x4000  }
0x77: {  	[sflag:s22] =	ssyncset.done $0x0  }
0x78: {  	[sflag:s22] =	ssyncadd.s32 $0xFFFFC000  }
0x79: {  	_ =	swait.ge [sflag:s23], $0x80  }
0x7a: {  	[sflag:s23] =	ssyncset.done $0x0  }
0x7b: {  	[sflag:s23] =	ssyncadd.s32 $0xFFFFFF80  }
0x7c: {  	[spmem:s3] =	stream.indirect.scatter.add.f32 [tilespmem:s17], [sflag:$0x5], $0x80, s18, s19, $0xb8;
	[tilespmem:$0x1E900] =	vst v63  }
0x7d: {  	_ =	swait.ge [sflag:s14], $0x4000  }
0x7e: {  	[sflag:s14] =	ssyncset.done $0x0  }
0x7f: {  	[sflag:s14] =	ssyncadd.s32 $0xFFFFC000  }
0x80: {  	_ =	swait.ge [sflag:s24], $0x4000  }
0x81: {  	[sflag:s24] =	ssyncset.done $0x0  }
0x82: {  	[sflag:s24] =	ssyncadd.s32 $0xFFFFC000  }
0x83: {  	_ =	swait.ge [sflag:s25], $0x80  }
0x84: {  	[sflag:s25] =	ssyncset.done $0x0  }
0x85: {  	[sflag:s25] =	ssyncadd.s32 $0xFFFFFF80  }
0x86: {  	[spmem:s3] =	stream.indirect.scatter.add.f32 [tilespmem:s20], [sflag:$0x5], $0x80, s21, s19, $0xb8;
	[tilespmem:$0x1E900] =	vst v63  }
0x87: {  	_ =	swait.ge [sflag:s14], $0x4000  }
0x88: {  	s28 =	sadd.s32 $0x1, s28;
	[sflag:s14] =	ssyncset.done $0x0  }
0x89: {  	p0 =	sne.s32 s28, s11;
	[sflag:s14] =	ssyncadd.s32 $0xFFFFC000  }
.Ltmp1:
0x8a: {  	[bflag:$0x0] =	sbarrier.arrive $0xFFFF;
	(pc) =	sbr.rel @p0 .LBB2_1-.Ltmp1, $4  }
0x8b: {  	[hbm:s10], [sflag:s15] =	dma.local [spmem:s16], $0x2800  }
0x8c: {  	_ =	swait.ge [sflag:s14], $0x2800  }
0x8d: {  	[sflag:s14] =	ssyncset.done $0x0  }
0x8e: {  	[sflag:s14] =	ssyncadd.s32 $0xFFFFD800  }
0x8f: {  	_ =	sfence.sel $0x180000  }
0x90: {  	[bflag:$0x0] =	sbarrier.arrive $0xFFFF  }
0x91: {  	_ =	strace $0x9000004A  }
0x92: {  	s0 =	stileid.u32;
	[bflag:$0x2] =	sbarrier.arrive $0xFFFF  }
0x93: {  	p0 =	sne.s32 s0, $0x0;
	s0 =	rddreg [dreg:$0x3]  }
0x94: {  	s0 =	sadd.s32 @!p0 $0x100000, s0  }
0x95: {  	[sflag:s0] =	ssyncadd.tile.s32 @!p0 $0x1;
	_ =	shalt  }
.Lfunc_end2:
_tile_overlayer_lowered:
.L_overlay_start_2:
0x96: {  	(tag) =	ssettag $0x2  }
0x97: {  	s0 =	rddreg [dreg:$0x0];
	s2 =	stileid.u32  }
0x98: {  	s1 =	rddreg [dreg:$0x1];
	p0 =	sne.s32 s2, $0x0  }
0x99: {  	s3 =	rddreg [dreg:$0x2];
	[bflag:$0x3] =	sbarrier.arrive $0xFFFF;
	s2 =	simm.s32 @!p0 $0x1C05  }
0x9a: {  	[timem:s3], [sflag:s2] =	dma.local @!p0 [hbm:s0], s1  }
0x9b: {  	s0 =	simm.s32 @!p0 $0x5  }
0x9c: {  	_ =	swait.ge @!p0 [sflag:s0], s1  }
0x9d: {  	s1 =	ssub.s32 @!p0 $0x0, s1;
	[sflag:s0] =	ssyncset.done @!p0 $0x0  }
0x9e: {  	[sflag:s0] =	ssyncadd.s32 @!p0 s1  }
0x9f: {  	[bflag:$0x3] =	sbarrier.arrive $0xFFFF  }
0xa0: {  	_ =	shalt  }

// kernel: kernel.14.cloned.1.call-start
scs
__scs_entry_jumppad:
0x0: {  	(pc) =	sbr.rel $0x88, $3  }
0x1: {  	(tag) =	ssettag $0x0;
	lr =	simm.s32 $0x1  }
0x2: {  	[smem:$0x3F99] =	sst lr;
	_ =	strace $0xD0000000  }
0x3: {  	_ = 	snop  }
0x4: {  	_ = 	snop  }
0x5: {  	_ = 	snop  }
0x6: {  	_ = 	snop  }
0x7: {  	_ = 	snop  }
__scs_overlays_trampoline_lowered:
0x8: {  	[smem:$0x3FA8] =	sst s0  }
0x9: {  	[smem:$0x3FA9] =	sst s1  }
0xa: {  	[smem:$0x3FAA] =	sst s2  }
0xb: {  	[smem:$0x3FAB] =	sst s3  }
0xc: {  	[smem:$0x3FAC] =	sst s4  }
0xd: {  	[smem:$0x3FAD] =	sst s5  }
0xe: {  	[smem:$0x3FAE] =	sst s6  }
0xf: {  	[smem:$0x3FAF] =	sst s7  }
0x10: {  	[smem:$0x3FB0] =	sst s8  }
0x11: {  	[smem:$0x3FB1] =	sst s9;
	s0 =	simm.s32 @!p0 $0x0  }
0x12: {  	s1 =	sld [smem:$0x3F97];
	s0 =	simm.s32 @p0 $0x1  }
0x13: {  	[smem:$0x3FB2] =	sst s0;
	s0 =	simm.s32 @!p1 $0x0  }
0x14: {  	s2 =	sld [smem:$0x3F96];
	s0 =	simm.s32 @p1 $0x1  }
0x15: {  	[smem:$0x3FB3] =	sst s0;
	s0 =	simm.s32 @!p2 $0x0  }
0x16: {  	s3 =	sld [smem:$0x3FDB];
	s0 =	simm.s32 @p2 $0x1  }
0x17: {  	s4 =	simm.s32 $0x1BF5;
	[smem:$0x3FB5] =	sst s0  }
0x18: {  	s0 =	sld [smem:$0x3F98];
	_ =	swait.ge [sflag:s4], $0x0  }
0x19: {  	s7 =	sld [smem:$0x3F99]  }
0x1a: {  	s8 =	sadd.s32 $0xFFFFE003, lr  }
0x1b: {  	s9 =	sadd.s32 $0xFFFFFEF7, lr;
	s5 =	simm.s32 $0xFFFFFFFF;
	p2 =	slt.u32 s8, $0xFFFFF086  }
0x1c: {  	p1 =	slt.u32 s9, $0xF7A;
	s5 =	simm.s32 @!p2 $0x0  }
0x1d: {  	s5 =	simm.s32 @p1 $0x1;
	p0 =	seq.s32 s7, s2  }
0x1e: {  	s7 =	smul.u32 @!p0 $0xF7A, s2;
	p2 =	seq.s32 @!p0 s5, $0x0  }
0x1f: {  	s9 =	smul.u32 $0xF7A, s1;
	s8 =	simm.s32 @!p0 $0x1BF5;
	p2 =	por !p2, p0  }
0x20: {  	[sflag:s8] =	ssyncset.s32 @!p0 $0xFFFFF086;
	s6 =	sadd.s32 @!p0 s3, s7;
	s7 =	simm.s32 @!p0 $0x108  }
0x21: {  	s3 =	sadd.s32 s3, s9;
	s6 =	sadd.s32 @!p0 $0x88, s6;
	s7 =	simm.s32 @p2 $0x1082  }
0x22: {  	[simem:s7], [sflag:s8] =	dma.local @!p0 [hbm:s6], $0xF7A  }
0x23: {  	s9 =	sor.u32 $0xD0000000, s2;
	s6 =	simm.s32 $0x108;
	_ =	swait.ge @!p0 [sflag:s8], $0x0  }
0x24: {  	s3 =	sadd.s32 $0x88, s3;
	s6 =	simm.s32 @!p1 $0x1082;
	[sflag:s4] =	ssyncset.s32 $0xFFFFF086  }
0x25: {  	[simem:s6], [sflag:s4] =	dma.local [hbm:s3], $0xF7A  }
0x26: {  	[smem:$0x3F99] =	sst s1;
	(tag) =	ssettag s2;
	_ =	strace s9  }
0x27: {  	s1 =	sld [smem:$0x3FA9]  }
0x28: {  	s2 =	sld [smem:$0x3FAA]  }
0x29: {  	s4 =	sld [smem:$0x3FAC]  }
0x2a: {  	p0 =	seq.s32 s5, $0x0;
	s5 =	sld [smem:$0x3FAD]  }
0x2b: {  	s6 =	sld [smem:$0x3FAE]  }
0x2c: {  	s7 =	sld [smem:$0x3FAF]  }
0x2d: {  	s3 =	simm.s32 $0x108;
	s8 =	sld [smem:$0x3FB0]  }
0x2e: {  	s3 =	simm.s32 @!p0 $0x1082;
	s9 =	sld [smem:$0x3FB1]  }
0x2f: {  	lr =	sadd.s32 s0, s3;
	s0 =	sld [smem:$0x3FA8]  }
0x30: {  	s3 =	sld [smem:$0x3FAB]  }
0x31: {  	[smem:$0x3FB4] =	sst s10  }
0x32: {  	s10 =	sld [smem:$0x3FB2];
	_ =	sdelay $0x3  }
0x33: {  	p0 =	seq.s32 s10, $0x1;
	s10 =	sld [smem:$0x3FB4];
	_ =	sdelay $0x3  }
0x34: {  	[smem:$0x3FB4] =	sst s10  }
0x35: {  	s10 =	sld [smem:$0x3FB3];
	_ =	sdelay $0x3  }
0x36: {  	p1 =	seq.s32 s10, $0x1;
	s10 =	sld [smem:$0x3FB4];
	_ =	sdelay $0x3  }
0x37: {  	[smem:$0x3FB4] =	sst s10  }
0x38: {  	s10 =	sld [smem:$0x3FB5]  }
0x39: {  	_ = 	snop;
	(pc) =	sbr.ind lr, $3  }
0x3a: {  	_ = 	snop  }
0x3b: {  	_ = 	snop  }
0x3c: {  	p2 =	seq.s32 s10, $0x1;
	s10 =	sld [smem:$0x3FB4]  }
0x3d: {  	_ =	shalt  }
0x3e: {  	_ =	shalt  }
0x3f: {  	_ =	shalt  }
0x40: {  	_ =	shalt  }
0x41: {  	_ =	shalt  }
0x42: {  	_ =	shalt  }
0x43: {  	_ =	shalt  }
0x44: {  	_ =	shalt  }
0x45: {  	_ =	shalt  }
0x46: {  	_ =	shalt  }
0x47: {  	_ =	shalt  }
0x48: {  	_ =	shalt  }
0x49: {  	_ =	shalt  }
0x4a: {  	_ =	shalt  }
0x4b: {  	_ =	shalt  }
0x4c: {  	_ =	shalt  }
0x4d: {  	_ =	shalt  }
0x4e: {  	_ =	shalt  }
0x4f: {  	_ =	shalt  }
0x50: {  	_ =	shalt  }
0x51: {  	_ =	shalt  }
0x52: {  	_ =	shalt  }
0x53: {  	_ =	shalt  }
0x54: {  	_ =	shalt  }
0x55: {  	_ =	shalt  }
0x56: {  	_ =	shalt  }
0x57: {  	_ =	shalt  }
0x58: {  	_ =	shalt  }
0x59: {  	_ =	shalt  }
0x5a: {  	_ =	shalt  }
0x5b: {  	_ =	shalt  }
0x5c: {  	_ =	shalt  }
0x5d: {  	_ =	shalt  }
0x5e: {  	_ =	shalt  }
0x5f: {  	_ =	shalt  }
0x60: {  	_ =	shalt  }
0x61: {  	_ =	shalt  }
0x62: {  	_ =	shalt  }
0x63: {  	_ =	shalt  }
0x64: {  	_ =	shalt  }
0x65: {  	_ =	shalt  }
0x66: {  	_ =	shalt  }
0x67: {  	_ =	shalt  }
0x68: {  	_ =	shalt  }
0x69: {  	_ =	shalt  }
0x6a: {  	_ =	shalt  }
0x6b: {  	_ =	shalt  }
0x6c: {  	_ =	shalt  }
0x6d: {  	_ =	shalt  }
0x6e: {  	_ =	shalt  }
0x6f: {  	_ =	shalt  }
0x70: {  	_ =	shalt  }
0x71: {  	_ =	shalt  }
0x72: {  	_ =	shalt  }
0x73: {  	_ =	shalt  }
0x74: {  	_ =	shalt  }
0x75: {  	_ =	shalt  }
0x76: {  	_ =	shalt  }
0x77: {  	_ =	shalt  }
0x78: {  	_ =	shalt  }
0x79: {  	_ =	shalt  }
0x7a: {  	_ =	shalt  }
0x7b: {  	_ =	shalt  }
0x7c: {  	_ =	shalt  }
0x7d: {  	_ =	shalt  }
0x7e: {  	_ =	shalt  }
0x7f: {  	_ =	shalt  }
0x80: {  	_ =	shalt  }
0x81: {  	_ =	shalt  }
0x82: {  	_ =	shalt  }
0x83: {  	_ =	shalt  }
0x84: {  	_ =	shalt  }
0x85: {  	_ =	shalt  }
0x86: {  	_ =	shalt  }
0x87: {  	_ =	shalt  }
.Lfunc_end0:
.L_simem_size_0:
called_computation.2_lowered:
.L_overlay_start_0:
0x88: {  	s2 =	sld [smem:$0x3FD9]  }
0x89: {  	s3 =	sld [smem:$0x3FFE];
	_ =	sdelay $0x1  }
0x8a: {  	s1 =	srdreg.scid  }
0x8b: {  	s0 =	sand.u32 $0x1, s1  }
0x8c: {  	s17 =	sshll.u32 s0, $0xA;
	s2 =	sadd.s32 s3, s2  }
0x8d: {  	s2 =	sadd.s32 s2, s17  }
0x8e: {  	[smem:$0x3FC0] =	sst s2  }
0x8f: {  	_ = 	snop  }
0x90: {  	s2 =	sld [smem:$0x3FD0];
	(tm) =	ssettm $0x1  }
0x91: {  	s18 =	sld [smem:$0x3FFB];
	_ =	sdelay $0x3  }
0x92: {  	_ =	strace s18  }
0x93: {  	s3 =	sld [smem:$0x3FFC];
	_ =	sdelay $0x3  }
0x94: {  	_ =	strace s3  }
0x95: {  	s3 =	sld [smem:$0x3FFD];
	_ =	sdelay $0x3  }
0x96: {  	_ =	strace s3  }
0x97: {  	_ =	strace $0x8FFFFFFF  }
0x98: {  	s19 =	sld [smem:$0x3FDB];
	_ =	sdelay $0x1  }
0x99: {  	s4 =	simm.s32 $_scs_section_size  }
0x9a: {  	s5 =	simm.s32 $_size__tile_overlayer_lowered;
	s6 =	simm.s32 $_tile_overlayer_lowered  }
0x9b: {  	s22 =	simm.s32 $0x1BFF;
	s21 =	sshll.u32 s6, $0x1;
	s3 =	sadd.s32 s4, s19  }
0x9c: {  	s7 =	simm.s32 $0x0;
	s20 =	sshll.u32 s5, $0x1;
	s5 =	sadd.s32 s21, s3  }
0x9d: {  	[timem:s7], [sflag:s22] =	dma.local [hbm:s5], s20  }
0x9e: {  	_ =	swait.ge [sflag:s22], s20  }
0x9f: {  	s4 =	ssub.s32 $0x0, s20;
	[sflag:s22] =	ssyncset.done $0x0  }
0xa0: {  	[sflag:s22] =	ssyncadd.s32 s4;
	_ =	sdelay $0x1  }
0xa1: {  	s23 =	simm.s32 $0x1B8B  }
0xa2: {  	_ =	swait.ge [sflag:s23], $0x1  }
0xa3: {  	[sflag:s23] =	ssyncset.done $0x0  }
0xa4: {  	s25 =	simm.s32 $0x1B8E;
	s24 =	sld [smem:$0x3FFE];
	[sflag:s23] =	ssyncadd.s32 $0xFFFFFFFF  }
0xa5: {  	s26 =	simm.s32 $execute0_lowered;
	[smem:$0x3FD2] =	sst s25  }
0xa6: {  	s5 =	sshll.u32 s26, $0x1;
	_ =	strace $0x8000004C;
	[dreg:$0x1] =	wrdreg $0xFFFFFFFF  }
0xa7: {  	s28 =	simm.s32 $_size_execute0_lowered;
	s3 =	sadd.s32 s3, s5;
	[dreg:$0x0] =	wrdreg $0x0  }
0xa8: {  	s5 =	sshll.u32 s28, $0x1;
	[dreg:$0x2] =	wrdreg s3  }
0xa9: {  	[dreg:$0x3] =	wrdreg s5  }
0xaa: {  	[dreg:$0x4] =	wrdreg $0xC0  }
0xab: {  	_ =	task [dreg:s7], $0x5FFFF  }
0xac: {  	[dreg:$0x1] =	wrdreg $0xFFFFFFFF  }
0xad: {  	[dreg:$0x0] =	wrdreg $0x60  }
0xae: {  	[dreg:$0x2] =	wrdreg s24  }
0xaf: {  	[dreg:$0x3] =	wrdreg s2  }
0xb0: {  	[dreg:$0x4] =	wrdreg $0xA9000  }
0xb1: {  	[dreg:$0x5] =	wrdreg $0x9  }
0xb2: {  	_ =	task.clear_ibuf [dreg:s7], $0x6FFFF;
	_ =	strace $0x9000004C  }
0xb3: {  	s29 =	simm.s32 $0x9;
	_ =	strace $0x8000004E  }
0xb4: {  	_ =	swait.ge [sflag:s29], $0x1  }
0xb5: {  	[sflag:s29] =	ssyncadd.s32 $0xFFFFFFFF  }
0xb6: {  	_ =	strace $0x9000004E  }
0xb7: {  	_ =	sfence  }
0xb8: {  	s30 =	sld [smem:$0x0];
	_ =	sdelay $0x2  }
0xb9: {  	s31 =	sshll.u32 s1, $0xD;
	s1 =	sshrl.u32 s1, $0x2  }
0xba: {  	s3 =	sand.u32 $0x4000, s31;
	s1 =	sadd.s32 s1, s30  }
0xbb: {  	s0 =	sor.u32 s3, s0;
	s1 =	sshll.u32 s1, $0x11  }
0xbc: {  	s0 =	sor.u32 s1, s0  }
0xbd: {  	s0 =	sadd.s32 $0x8F2B, s0  }
0xbe: {  	[sflag:s0] =	ssyncadd.remote.s32 $0x1  }
0xbf: {  	_ =	sfence.sel $0xFFFF  }
0xc0: {  	[dreg:$0x0] =	wrdreg $0xFFFFFFFF;
	(pc) =	sbr.abs _section_cstart, $3  }
0xc1: {  	[dreg:$0x1] =	wrdreg $0xFFFFFFFF  }
0xc2: {  	_ =	task.clear_ibuf [dreg:s7], $0x2FFFF;
	_ =	strace $0x9FFFFFFF  }
0xc3: {  	(tm) =	ssettm $0x7FFFFFFF  }
tec
execute0_lowered:
.L_overlay_start_1:
0x0: {  	(tag) =	ssettag $0x1  }
0x1: {  	s1 =	rddreg [dreg:$0x0]  }
0x2: {  	s0 =	srdreg.scid;
	s2 =	rddreg [dreg:$0x1]  }
0x3: {  	s14 =	stileid.u32;
	s3 =	rddreg [dreg:$0x2];
	s17 =	simm.s32 $0x2900  }
0x4: {  	s18 =	simm.s32 $0x2800;
	s19 =	simm.s32 $0x80;
	s20 =	simm.s32 $0x6900  }
0x5: {  	s21 =	simm.s32 $0x2880;
	s22 =	simm.s32 $0x1;
	s23 =	simm.s32 $0x3  }
0x6: {  	s24 =	simm.s32 $0x2;
	s25 =	simm.s32 $0x4;
	s28 =	simm.s32 $0x0  }
0x7: {  	s0 =	sand.u32 $0x1, s0;
	s7 =	sshll.u32 s14, $0x7;
	s8 =	smul.u32 $0x14000, s14  }
0x8: {  	s26 =	smul.u32 $0x50000, s14;
	s31 =	sshll.u32 s14, $0x6;
	s4 =	sshll.u32 s0, $0x4  }
0x9: {  	s7 =	sand.u32 $0x380, s7;
	s10 =	smul.u32 $0x140000, s0;
	s0 =	ssub.s32 $0x2, s0  }
0xa: {  	s15 =	sor.u32 $0x1C05, s31;
	s6 =	sor.u32 s14, s4;
	s4 =	simm.s32 $0x0  }
0xb: {  	s9 =	sshrl.u32 s8, $0x3;
	s11 =	sshrl.u32 s0, $0x1;
	s29 =	sshrl.u32 s26, $0x2  }
0xc: {  	s14 =	simm.s32 $0x5;
	s5 =	sshrl.u32 s6, $0x3;
	[smem:$0x7FF] =	sst s4  }
0xd: {  	s9 =	sadd.s32 s9, s1;
	s8 =	sadd.s32 s8, s10;
	s5 =	smul.u32 $0x14000, s5  }
0xe: {  	s6 =	smul.u32 $0x2800, s6;
	s0 =	ssub.s32 s0, s11;
	s13 =	sadd.s32 s29, s3  }
0xf: {  	_ =	strace $0x8000004D;
	s8 =	sshrl.u32 s8, $0x3;
	s5 =	sor.u32 s7, s5  }
0x10: {  	s11 =	smax.u32 s0, $0x1;
	s16 =	sshrl.u32 s13, $0x3;
	s7 =	sshrl.u32 s5, $0x3  }
0x11: {  	s30 =	sshrl.u32 s6, $0x3;
	s5 =	sadd.s32 $0x52A00, s1;
	s7 =	sadd.s32 s7, s1  }
0x12: {  	s1 =	sadd.s32 s8, s1;
	s8 =	sadd.s32 $0xACA00, s9;
	s9 =	sadd.s32 s2, s30  }
0x13: {  	s7 =	sadd.s32 $0x7AA00, s7;
	s10 =	sadd.s32 $0xD4A00, s1;
	s12 =	sadd.s32 $0x4F0, s9  }
.LBB2_1:
0x14: {  	s0 =	simm.s32 $0x400  }
0x15: {  	[tilespmem:s4], [sflag:$0x5] =	stream.strided.gather [hbm4b:s7+s19], $0x2800, s0, s19, $0x38;
	[tilespmem:$0x1E900] =	vst v63  }
0x16: {  	_ =	swait.ge [sflag:s14], $0x2800  }
0x17: {  	[sflag:s14] =	ssyncset.done $0x0  }
0x18: {  	[sflag:s14] =	ssyncadd.s32 $0xFFFFD800  }
0x19: {  	[spmem:s16], [sflag:s15] =	dma.local [hbm:s8], $0x2800  }
0x1a: {  	_ =	swait.ge [sflag:s14], $0x2800  }
0x1b: {  	s13 =	simm.s32 $0x0;
	[sflag:s14] =	ssyncset.done $0x0  }
0x1c: {  	s1 =	simm.s32 $0x80;
	s0 =	sand.u32 $0x3C00, s13;
	[sflag:s14] =	ssyncadd.s32 $0xFFFFD800  }
0x1d: {  	s1 =	sand.u32 $0x380, s1;
	s0 =	sadd.s32 s6, s0;
	[bflag:$0x0] =	sbarrier.arrive $0xFFFF  }
0x1e: {  	[tilespmem:s17], [sflag:$0x1] =	stream.indirect.gather [hbm4b:s5+s19], $0x80, s4, s19, $0xb8;
	[tilespmem:$0x1E900] =	vst v63  }
0x1f: {  	s0 =	sor.u32 s0, s1  }
0x20: {  	[tilespmem:s18], [sflag:$0x3] =	stream.linear.gather [hbm4b:s9+s4], $0x80, $0x38;
	[tilespmem:$0x1E900] =	vst v63  }
0x21: {  	s0 =	sshrl.u32 s0, $0x3  }
0x22: {  	[tilespmem:s20], [sflag:$0x2] =	stream.indirect.gather [hbm4b:s5+s19], $0x80, s19, s19, $0xb8;
	[tilespmem:$0x1E900] =	vst v63  }
0x23: {  	s0 =	sadd.s32 s2, s0  }
0x24: {  	[tilespmem:s21], [sflag:$0x4] =	stream.linear.gather [hbm4b:s0+s4], $0x80, $0x38;
	[tilespmem:$0x1E900] =	vst v63  }
0x25: {  	_ =	swait.ge [sflag:s22], $0x4000  }
0x26: {  	[sflag:s22] =	ssyncset.done $0x0  }
0x27: {  	[sflag:s22] =	ssyncadd.s32 $0xFFFFC000  }
0x28: {  	_ =	swait.ge [sflag:s23], $0x80  }
0x29: {  	s26 =	simm.s32 $0x100;
	[sflag:s23] =	ssyncset.done $0x0  }
0x2a: {  	s13 =	sand.u32 $0x7C00, s26;
	[sflag:s23] =	ssyncadd.s32 $0xFFFFFF80  }
0x2b: {  	[spmem:s3] =	stream.indirect.scatter.add.f32 [tilespmem:s17], [sflag:$0x5], $0x80, s18, s19, $0xb8;
	[tilespmem:$0x1E900] =	vst v63  }
0x2c: {  	s1 =	sadd.s32 s6, s13;
	s0 =	sand.u32 $0x300, s26;
	_ =	swait.ge [sflag:s14], $0x4000  }
0x2d: {  	s0 =	sor.u32 s0, s1;
	[sflag:s14] =	ssyncset.done $0x0  }
0x2e: {  	s13 =	simm.s32 $0x100;
	s0 =	sshrl.u32 s0, $0x3;
	[sflag:s14] =	ssyncadd.s32 $0xFFFFC000  }
0x2f: {  	[tilespmem:s17], [sflag:$0x1] =	stream.indirect.gather [hbm4b:s5+s19], $0x80, s13, s19, $0xb8;
	[tilespmem:$0x1E900] =	vst v63  }
0x30: {  	s0 =	sadd.s32 s2, s0  }
0x31: {  	[tilespmem:s18], [sflag:$0x3] =	stream.linear.gather [hbm4b:s0+s4], $0x80, $0x38;
	[tilespmem:$0x1E900] =	vst v63  }
0x32: {  	_ =	swait.ge [sflag:s24], $0x4000  }
0x33: {  	s30 =	simm.s32 $0x200;
	s31 =	simm.s32 $0x300;
	[sflag:s24] =	ssyncset.done $0x0  }
0x34: {  	s29 =	simm.s32 $0x180;
	s26 =	simm.s32 $0x100;
	[sflag:s24] =	ssyncadd.s32 $0xFFFFC000  }
0x35: {  	s13 =	simm.s32 $0x180;
	s0 =	sand.u32 $0x3C00, s26;
	_ =	swait.ge [sflag:s25], $0x80  }
.LBB2_2:
0x36: {  	s0 =	sadd.s32 s6, s0  }
0x37: {  	s13 =	sand.u32 $0x380, s13;
	[sflag:s25] =	ssyncset.done $0x0;
	s26 =	smov.u32 s31  }
0x38: {  	s1 =	sadd.s32 $0x100, s31;
	s0 =	sor.u32 s0, s13;
	[sflag:s25] =	ssyncadd.s32 $0xFFFFFF80  }
0x39: {  	[spmem:s3] =	stream.indirect.scatter.add.f32 [tilespmem:s20], [sflag:$0x5], $0x80, s21, s19, $0xb8;
	[tilespmem:$0x1E900] =	vst v63  }
0x3a: {  	p0 =	sne.s32 s31, $0x2700;
	s0 =	sshrl.u32 s0, $0x3;
	_ =	swait.ge [sflag:s14], $0x4000  }
0x3b: {  	[sflag:s14] =	ssyncset.done $0x0  }
0x3c: {  	[sflag:s14] =	ssyncadd.s32 $0xFFFFC000  }
0x3d: {  	[tilespmem:s20], [sflag:$0x2] =	stream.indirect.gather [hbm4b:s5+s19], $0x80, s29, s19, $0xb8;
	[tilespmem:$0x1E900] =	vst v63  }
0x3e: {  	s0 =	sadd.s32 s2, s0  }
0x3f: {  	[tilespmem:s21], [sflag:$0x4] =	stream.linear.gather [hbm4b:s0+s4], $0x80, $0x38;
	[tilespmem:$0x1E900] =	vst v63  }
0x40: {  	_ =	swait.ge [sflag:s22], $0x4000  }
0x41: {  	[sflag:s22] =	ssyncset.done $0x0  }
0x42: {  	[sflag:s22] =	ssyncadd.s32 $0xFFFFC000  }
0x43: {  	_ =	swait.ge [sflag:s23], $0x80  }
0x44: {  	[sflag:s23] =	ssyncset.done $0x0  }
0x45: {  	[sflag:s23] =	ssyncadd.s32 $0xFFFFFF80  }
0x46: {  	[spmem:s3] =	stream.indirect.scatter.add.f32 [tilespmem:s17], [sflag:$0x5], $0x80, s18, s19, $0xb8;
	[tilespmem:$0x1E900] =	vst v63  }
0x47: {  	s0 =	sand.u32 $0x7C00, s30;
	_ =	swait.ge [sflag:s14], $0x4000  }
0x48: {  	s13 =	sand.u32 $0x300, s30;
	s0 =	sadd.s32 s6, s0;
	[sflag:s14] =	ssyncset.done $0x0  }
0x49: {  	s30 =	sadd.s32 $0x80, s29;
	s0 =	sor.u32 s13, s0;
	[sflag:s14] =	ssyncadd.s32 $0xFFFFC000  }
0x4a: {  	[tilespmem:s17], [sflag:$0x1] =	stream.indirect.gather [hbm4b:s5+s19], $0x80, s30, s19, $0xb8;
	[tilespmem:$0x1E900] =	vst v63  }
0x4b: {  	s0 =	sshrl.u32 s0, $0x3;
	s30 =	smov.u32 s26  }
0x4c: {  	s0 =	sadd.s32 s2, s0  }
0x4d: {  	[tilespmem:s18], [sflag:$0x3] =	stream.linear.gather [hbm4b:s0+s4], $0x80, $0x38;
	[tilespmem:$0x1E900] =	vst v63  }
.Ltmp0:
0x4e: {  	_ = 	snop;
	(pc) =	sbr.rel @p0 .LBB2_2-.Ltmp0, $4  }
0x4f: {  	_ =	swait.ge [sflag:s24], $0x4000  }
0x50: {  	s31 =	smov.u32 s1;
	[sflag:s24] =	ssyncset.done $0x0  }
0x51: {  	s29 =	sadd.s32 $0x100, s29;
	s0 =	sadd.s32 $0xFFFFFF00, s30;
	[sflag:s24] =	ssyncadd.s32 $0xFFFFC000  }
0x52: {  	s13 =	sadd.s32 $0xFFFFFF80, s30;
	s0 =	sand.u32 $0x3C00, s0;
	_ =	swait.ge [sflag:s25], $0x80  }
0x53: {  	[sflag:s25] =	ssyncset.done $0x0  }
0x54: {  	[sflag:s25] =	ssyncadd.s32 $0xFFFFFF80  }
0x55: {  	[spmem:s3] =	stream.indirect.scatter.add.f32 [tilespmem:s20], [sflag:$0x5], $0x80, s21, s19, $0xb8;
	[tilespmem:$0x1E900] =	vst v63  }
0x56: {  	s0 =	sadd.s32 s6, s0;
	s1 =	sand.u32 $0x380, s13;
	_ =	swait.ge [sflag:s14], $0x4000  }
0x57: {  	s0 =	sor.u32 s0, s1;
	[sflag:s14] =	ssyncset.done $0x0  }
0x58: {  	s0 =	sshrl.u32 s0, $0x3;
	[sflag:s14] =	ssyncadd.s32 $0xFFFFC000  }
0x59: {  	[tilespmem:s20], [sflag:$0x2] =	stream.indirect.gather [hbm4b:s5+s19], $0x80, s29, s19, $0xb8;
	[tilespmem:$0x1E900] =	vst v63  }
0x5a: {  	s0 =	sadd.s32 s2, s0  }
0x5b: {  	[tilespmem:s21], [sflag:$0x4] =	stream.linear.gather [hbm4b:s0+s4], $0x80, $0x38;
	[tilespmem:$0x1E900] =	vst v63  }
0x5c: {  	_ =	swait.ge [sflag:s22], $0x4000  }
0x5d: {  	[sflag:s22] =	ssyncset.done $0x0  }
0x5e: {  	[sflag:s22] =	ssyncadd.s32 $0xFFFFC000  }
0x5f: {  	_ =	swait.ge [sflag:s23], $0x80  }
0x60: {  	[sflag:s23] =	ssyncset.done $0x0  }
0x61: {  	s13 =	sand.u32 $0x7C00, s30;
	[sflag:s23] =	ssyncadd.s32 $0xFFFFFF80  }
0x62: {  	[spmem:s3] =	stream.indirect.scatter.add.f32 [tilespmem:s17], [sflag:$0x5], $0x80, s18, s19, $0xb8;
	[tilespmem:$0x1E900] =	vst v63  }
0x63: {  	s26 =	sand.u32 $0x300, s30;
	s0 =	sadd.s32 s6, s13;
	_ =	swait.ge [sflag:s14], $0x4000  }
0x64: {  	s0 =	sor.u32 s26, s0;
	[sflag:s14] =	ssyncset.done $0x0  }
0x65: {  	s30 =	sadd.s32 $0x80, s29;
	s0 =	sshrl.u32 s0, $0x3;
	[sflag:s14] =	ssyncadd.s32 $0xFFFFC000  }
0x66: {  	[tilespmem:s17], [sflag:$0x1] =	stream.indirect.gather [hbm4b:s5+s19], $0x80, s30, s19, $0xb8;
	[tilespmem:$0x1E900] =	vst v63  }
0x67: {  	s0 =	sadd.s32 s2, s0  }
0x68: {  	[tilespmem:s18], [sflag:$0x3] =	stream.linear.gather [hbm4b:s0+s4], $0x80, $0x38;
	[tilespmem:$0x1E900] =	vst v63  }
0x69: {  	_ =	swait.ge [sflag:s24], $0x4000  }
0x6a: {  	[sflag:s24] =	ssyncset.done $0x0  }
0x6b: {  	[sflag:s24] =	ssyncadd.s32 $0xFFFFC000  }
0x6c: {  	_ =	swait.ge [sflag:s25], $0x80  }
0x6d: {  	[sflag:s25] =	ssyncset.done $0x0  }
0x6e: {  	[sflag:s25] =	ssyncadd.s32 $0xFFFFFF80  }
0x6f: {  	[spmem:s3] =	stream.indirect.scatter.add.f32 [tilespmem:s20], [sflag:$0x5], $0x80, s21, s19, $0xb8;
	[tilespmem:$0x1E900] =	vst v63  }
0x70: {  	_ =	swait.ge [sflag:s14], $0x4000  }
0x71: {  	[sflag:s14] =	ssyncset.done $0x0  }
0x72: {  	s31 =	simm.s32 $0x2780;
	[sflag:s14] =	ssyncadd.s32 $0xFFFFC000  }
0x73: {  	[tilespmem:s20], [sflag:$0x2] =	stream.indirect.gather [hbm4b:s5+s19], $0x80, s31, s19, $0xb8;
	[tilespmem:$0x1E900] =	vst v63  }
0x74: {  	_ = 	snop  }
0x75: {  	[tilespmem:s21], [sflag:$0x4] =	stream.linear.gather [hbm4b:s12+s4], $0x80, $0x38;
	[tilespmem:$0x1E900] =	vst v63  }
0x76: {  	_ =	swait.ge [sflag:s22], $0x4000  }
0x77: {  	[sflag:s22] =	ssyncset.done $0x0  }
0x78: {  	[sflag:s22] =	ssyncadd.s32 $0xFFFFC000  }
0x79: {  	_ =	swait.ge [sflag:s23], $0x80  }
0x7a: {  	[sflag:s23] =	ssyncset.done $0x0  }
0x7b: {  	[sflag:s23] =	ssyncadd.s32 $0xFFFFFF80  }
0x7c: {  	[spmem:s3] =	stream.indirect.scatter.add.f32 [tilespmem:s17], [sflag:$0x5], $0x80, s18, s19, $0xb8;
	[tilespmem:$0x1E900] =	vst v63  }
0x7d: {  	_ =	swait.ge [sflag:s14], $0x4000  }
0x7e: {  	[sflag:s14] =	ssyncset.done $0x0  }
0x7f: {  	[sflag:s14] =	ssyncadd.s32 $0xFFFFC000  }
0x80: {  	_ =	swait.ge [sflag:s24], $0x4000  }
0x81: {  	[sflag:s24] =	ssyncset.done $0x0  }
0x82: {  	[sflag:s24] =	ssyncadd.s32 $0xFFFFC000  }
0x83: {  	_ =	swait.ge [sflag:s25], $0x80  }
0x84: {  	[sflag:s25] =	ssyncset.done $0x0  }
0x85: {  	[sflag:s25] =	ssyncadd.s32 $0xFFFFFF80  }
0x86: {  	[spmem:s3] =	stream.indirect.scatter.add.f32 [tilespmem:s20], [sflag:$0x5], $0x80, s21, s19, $0xb8;
	[tilespmem:$0x1E900] =	vst v63  }
0x87: {  	_ =	swait.ge [sflag:s14], $0x4000  }
0x88: {  	s28 =	sadd.s32 $0x1, s28;
	[sflag:s14] =	ssyncset.done $0x0  }
0x89: {  	p0 =	sne.s32 s28, s11;
	[sflag:s14] =	ssyncadd.s32 $0xFFFFC000  }
.Ltmp1:
0x8a: {  	[bflag:$0x0] =	sbarrier.arrive $0xFFFF;
	(pc) =	sbr.rel @p0 .LBB2_1-.Ltmp1, $4  }
0x8b: {  	[hbm:s10], [sflag:s15] =	dma.local [spmem:s16], $0x2800  }
0x8c: {  	_ =	swait.ge [sflag:s14], $0x2800  }
0x8d: {  	[sflag:s14] =	ssyncset.done $0x0  }
0x8e: {  	[sflag:s14] =	ssyncadd.s32 $0xFFFFD800  }
0x8f: {  	_ =	sfence.sel $0x180000  }
0x90: {  	[bflag:$0x0] =	sbarrier.arrive $0xFFFF  }
0x91: {  	_ =	strace $0x9000004D  }
0x92: {  	s0 =	stileid.u32;
	[bflag:$0x2] =	sbarrier.arrive $0xFFFF  }
0x93: {  	p0 =	sne.s32 s0, $0x0;
	s0 =	rddreg [dreg:$0x3]  }
0x94: {  	s0 =	sadd.s32 @!p0 $0x100000, s0  }
0x95: {  	[sflag:s0] =	ssyncadd.tile.s32 @!p0 $0x1;
	_ =	shalt  }
.Lfunc_end2:
_tile_overlayer_lowered:
.L_overlay_start_2:
0x96: {  	(tag) =	ssettag $0x2  }
0x97: {  	s0 =	rddreg [dreg:$0x0];
	s2 =	stileid.u32  }
0x98: {  	s1 =	rddreg [dreg:$0x1];
	p0 =	sne.s32 s2, $0x0  }
0x99: {  	s3 =	rddreg [dreg:$0x2];
	[bflag:$0x3] =	sbarrier.arrive $0xFFFF;
	s2 =	simm.s32 @!p0 $0x1C05  }
0x9a: {  	[timem:s3], [sflag:s2] =	dma.local @!p0 [hbm:s0], s1  }
0x9b: {  	s0 =	simm.s32 @!p0 $0x5  }
0x9c: {  	_ =	swait.ge @!p0 [sflag:s0], s1  }
0x9d: {  	s1 =	ssub.s32 @!p0 $0x0, s1;
	[sflag:s0] =	ssyncset.done @!p0 $0x0  }
0x9e: {  	[sflag:s0] =	ssyncadd.s32 @!p0 s1  }
0x9f: {  	[bflag:$0x3] =	sbarrier.arrive $0xFFFF  }
0xa0: {  	_ =	shalt  }

// kernel: kernel.8.cloned.1.call-start
scs
__scs_entry_jumppad:
0x0: {  	(pc) =	sbr.rel $0x88, $3  }
0x1: {  	(tag) =	ssettag $0x0;
	lr =	simm.s32 $0x1  }
0x2: {  	[smem:$0x3F99] =	sst lr;
	_ =	strace $0xD0000000  }
0x3: {  	_ = 	snop  }
0x4: {  	_ = 	snop  }
0x5: {  	_ = 	snop  }
0x6: {  	_ = 	snop  }
0x7: {  	_ = 	snop  }
__scs_overlays_trampoline_lowered:
0x8: {  	[smem:$0x3FA8] =	sst s0  }
0x9: {  	[smem:$0x3FA9] =	sst s1  }
0xa: {  	[smem:$0x3FAA] =	sst s2  }
0xb: {  	[smem:$0x3FAB] =	sst s3  }
0xc: {  	[smem:$0x3FAC] =	sst s4  }
0xd: {  	[smem:$0x3FAD] =	sst s5  }
0xe: {  	[smem:$0x3FAE] =	sst s6  }
0xf: {  	[smem:$0x3FAF] =	sst s7  }
0x10: {  	[smem:$0x3FB0] =	sst s8  }
0x11: {  	[smem:$0x3FB1] =	sst s9;
	s0 =	simm.s32 @!p0 $0x0  }
0x12: {  	s1 =	sld [smem:$0x3F97];
	s0 =	simm.s32 @p0 $0x1  }
0x13: {  	[smem:$0x3FB2] =	sst s0;
	s0 =	simm.s32 @!p1 $0x0  }
0x14: {  	s2 =	sld [smem:$0x3F96];
	s0 =	simm.s32 @p1 $0x1  }
0x15: {  	[smem:$0x3FB3] =	sst s0;
	s0 =	simm.s32 @!p2 $0x0  }
0x16: {  	s3 =	sld [smem:$0x3FDB];
	s0 =	simm.s32 @p2 $0x1  }
0x17: {  	s4 =	simm.s32 $0x1BF5;
	[smem:$0x3FB5] =	sst s0  }
0x18: {  	s0 =	sld [smem:$0x3F98];
	_ =	swait.ge [sflag:s4], $0x0  }
0x19: {  	s7 =	sld [smem:$0x3F99]  }
0x1a: {  	s8 =	sadd.s32 $0xFFFFE003, lr  }
0x1b: {  	s9 =	sadd.s32 $0xFFFFFEF7, lr;
	s5 =	simm.s32 $0xFFFFFFFF;
	p2 =	slt.u32 s8, $0xFFFFF086  }
0x1c: {  	p1 =	slt.u32 s9, $0xF7A;
	s5 =	simm.s32 @!p2 $0x0  }
0x1d: {  	s5 =	simm.s32 @p1 $0x1;
	p0 =	seq.s32 s7, s2  }
0x1e: {  	s7 =	smul.u32 @!p0 $0xF7A, s2;
	p2 =	seq.s32 @!p0 s5, $0x0  }
0x1f: {  	s9 =	smul.u32 $0xF7A, s1;
	s8 =	simm.s32 @!p0 $0x1BF5;
	p2 =	por !p2, p0  }
0x20: {  	[sflag:s8] =	ssyncset.s32 @!p0 $0xFFFFF086;
	s6 =	sadd.s32 @!p0 s3, s7;
	s7 =	simm.s32 @!p0 $0x108  }
0x21: {  	s3 =	sadd.s32 s3, s9;
	s6 =	sadd.s32 @!p0 $0x88, s6;
	s7 =	simm.s32 @p2 $0x1082  }
0x22: {  	[simem:s7], [sflag:s8] =	dma.local @!p0 [hbm:s6], $0xF7A  }
0x23: {  	s9 =	sor.u32 $0xD0000000, s2;
	s6 =	simm.s32 $0x108;
	_ =	swait.ge @!p0 [sflag:s8], $0x0  }
0x24: {  	s3 =	sadd.s32 $0x88, s3;
	s6 =	simm.s32 @!p1 $0x1082;
	[sflag:s4] =	ssyncset.s32 $0xFFFFF086  }
0x25: {  	[simem:s6], [sflag:s4] =	dma.local [hbm:s3], $0xF7A  }
0x26: {  	[smem:$0x3F99] =	sst s1;
	(tag) =	ssettag s2;
	_ =	strace s9  }
0x27: {  	s1 =	sld [smem:$0x3FA9]  }
0x28: {  	s2 =	sld [smem:$0x3FAA]  }
0x29: {  	s4 =	sld [smem:$0x3FAC]  }
0x2a: {  	p0 =	seq.s32 s5, $0x0;
	s5 =	sld [smem:$0x3FAD]  }
0x2b: {  	s6 =	sld [smem:$0x3FAE]  }
0x2c: {  	s7 =	sld [smem:$0x3FAF]  }
0x2d: {  	s3 =	simm.s32 $0x108;
	s8 =	sld [smem:$0x3FB0]  }
0x2e: {  	s3 =	simm.s32 @!p0 $0x1082;
	s9 =	sld [smem:$0x3FB1]  }
0x2f: {  	lr =	sadd.s32 s0, s3;
	s0 =	sld [smem:$0x3FA8]  }
0x30: {  	s3 =	sld [smem:$0x3FAB]  }
0x31: {  	[smem:$0x3FB4] =	sst s10  }
0x32: {  	s10 =	sld [smem:$0x3FB2];
	_ =	sdelay $0x3  }
0x33: {  	p0 =	seq.s32 s10, $0x1;
	s10 =	sld [smem:$0x3FB4];
	_ =	sdelay $0x3  }
0x34: {  	[smem:$0x3FB4] =	sst s10  }
0x35: {  	s10 =	sld [smem:$0x3FB3];
	_ =	sdelay $0x3  }
0x36: {  	p1 =	seq.s32 s10, $0x1;
	s10 =	sld [smem:$0x3FB4];
	_ =	sdelay $0x3  }
0x37: {  	[smem:$0x3FB4] =	sst s10  }
0x38: {  	s10 =	sld [smem:$0x3FB5]  }
0x39: {  	_ = 	snop;
	(pc) =	sbr.ind lr, $3  }
0x3a: {  	_ = 	snop  }
0x3b: {  	_ = 	snop  }
0x3c: {  	p2 =	seq.s32 s10, $0x1;
	s10 =	sld [smem:$0x3FB4]  }
0x3d: {  	_ =	shalt  }
0x3e: {  	_ =	shalt  }
0x3f: {  	_ =	shalt  }
0x40: {  	_ =	shalt  }
0x41: {  	_ =	shalt  }
0x42: {  	_ =	shalt  }
0x43: {  	_ =	shalt  }
0x44: {  	_ =	shalt  }
0x45: {  	_ =	shalt  }
0x46: {  	_ =	shalt  }
0x47: {  	_ =	shalt  }
0x48: {  	_ =	shalt  }
0x49: {  	_ =	shalt  }
0x4a: {  	_ =	shalt  }
0x4b: {  	_ =	shalt  }
0x4c: {  	_ =	shalt  }
0x4d: {  	_ =	shalt  }
0x4e: {  	_ =	shalt  }
0x4f: {  	_ =	shalt  }
0x50: {  	_ =	shalt  }
0x51: {  	_ =	shalt  }
0x52: {  	_ =	shalt  }
0x53: {  	_ =	shalt  }
0x54: {  	_ =	shalt  }
0x55: {  	_ =	shalt  }
0x56: {  	_ =	shalt  }
0x57: {  	_ =	shalt  }
0x58: {  	_ =	shalt  }
0x59: {  	_ =	shalt  }
0x5a: {  	_ =	shalt  }
0x5b: {  	_ =	shalt  }
0x5c: {  	_ =	shalt  }
0x5d: {  	_ =	shalt  }
0x5e: {  	_ =	shalt  }
0x5f: {  	_ =	shalt  }
0x60: {  	_ =	shalt  }
0x61: {  	_ =	shalt  }
0x62: {  	_ =	shalt  }
0x63: {  	_ =	shalt  }
0x64: {  	_ =	shalt  }
0x65: {  	_ =	shalt  }
0x66: {  	_ =	shalt  }
0x67: {  	_ =	shalt  }
0x68: {  	_ =	shalt  }
0x69: {  	_ =	shalt  }
0x6a: {  	_ =	shalt  }
0x6b: {  	_ =	shalt  }
0x6c: {  	_ =	shalt  }
0x6d: {  	_ =	shalt  }
0x6e: {  	_ =	shalt  }
0x6f: {  	_ =	shalt  }
0x70: {  	_ =	shalt  }
0x71: {  	_ =	shalt  }
0x72: {  	_ =	shalt  }
0x73: {  	_ =	shalt  }
0x74: {  	_ =	shalt  }
0x75: {  	_ =	shalt  }
0x76: {  	_ =	shalt  }
0x77: {  	_ =	shalt  }
0x78: {  	_ =	shalt  }
0x79: {  	_ =	shalt  }
0x7a: {  	_ =	shalt  }
0x7b: {  	_ =	shalt  }
0x7c: {  	_ =	shalt  }
0x7d: {  	_ =	shalt  }
0x7e: {  	_ =	shalt  }
0x7f: {  	_ =	shalt  }
0x80: {  	_ =	shalt  }
0x81: {  	_ =	shalt  }
0x82: {  	_ =	shalt  }
0x83: {  	_ =	shalt  }
0x84: {  	_ =	shalt  }
0x85: {  	_ =	shalt  }
0x86: {  	_ =	shalt  }
0x87: {  	_ =	shalt  }
.Lfunc_end0:
.L_simem_size_0:
called_computation_lowered:
.L_overlay_start_0:
0x88: {  	s2 =	sld [smem:$0x3FD9]  }
0x89: {  	s3 =	sld [smem:$0x3FFE];
	_ =	sdelay $0x1  }
0x8a: {  	s1 =	srdreg.scid  }
0x8b: {  	s0 =	sand.u32 $0x1, s1  }
0x8c: {  	s17 =	sshll.u32 s0, $0xA;
	s2 =	sadd.s32 s3, s2  }
0x8d: {  	s2 =	sadd.s32 s2, s17  }
0x8e: {  	[smem:$0x3FC0] =	sst s2  }
0x8f: {  	_ = 	snop  }
0x90: {  	s2 =	sld [smem:$0x3FD0];
	(tm) =	ssettm $0x1  }
0x91: {  	s18 =	sld [smem:$0x3FFB];
	_ =	sdelay $0x3  }
0x92: {  	_ =	strace s18  }
0x93: {  	s3 =	sld [smem:$0x3FFC];
	_ =	sdelay $0x3  }
0x94: {  	_ =	strace s3  }
0x95: {  	s3 =	sld [smem:$0x3FFD];
	_ =	sdelay $0x3  }
0x96: {  	_ =	strace s3  }
0x97: {  	_ =	strace $0x8FFFFFFF  }
0x98: {  	s19 =	sld [smem:$0x3FDB];
	_ =	sdelay $0x1  }
0x99: {  	s4 =	simm.s32 $_scs_section_size  }
0x9a: {  	s5 =	simm.s32 $_size__tile_overlayer_lowered;
	s6 =	simm.s32 $_tile_overlayer_lowered  }
0x9b: {  	s22 =	simm.s32 $0x1BFF;
	s21 =	sshll.u32 s6, $0x1;
	s3 =	sadd.s32 s4, s19  }
0x9c: {  	s7 =	simm.s32 $0x0;
	s20 =	sshll.u32 s5, $0x1;
	s5 =	sadd.s32 s21, s3  }
0x9d: {  	[timem:s7], [sflag:s22] =	dma.local [hbm:s5], s20  }
0x9e: {  	_ =	swait.ge [sflag:s22], s20  }
0x9f: {  	s4 =	ssub.s32 $0x0, s20;
	[sflag:s22] =	ssyncset.done $0x0  }
0xa0: {  	[sflag:s22] =	ssyncadd.s32 s4;
	_ =	sdelay $0x1  }
0xa1: {  	s23 =	simm.s32 $0x1B8B  }
0xa2: {  	_ =	swait.ge [sflag:s23], $0x1  }
0xa3: {  	[sflag:s23] =	ssyncset.done $0x0  }
0xa4: {  	s25 =	simm.s32 $0x1B8E;
	s24 =	sld [smem:$0x3FFE];
	[sflag:s23] =	ssyncadd.s32 $0xFFFFFFFF  }
0xa5: {  	s26 =	simm.s32 $execute0_lowered;
	[smem:$0x3FD2] =	sst s25  }
0xa6: {  	s5 =	sshll.u32 s26, $0x1;
	_ =	strace $0x80000046;
	[dreg:$0x1] =	wrdreg $0xFFFFFFFF  }
0xa7: {  	s28 =	simm.s32 $_size_execute0_lowered;
	s3 =	sadd.s32 s3, s5;
	[dreg:$0x0] =	wrdreg $0x0  }
0xa8: {  	s5 =	sshll.u32 s28, $0x1;
	[dreg:$0x2] =	wrdreg s3  }
0xa9: {  	[dreg:$0x3] =	wrdreg s5  }
0xaa: {  	[dreg:$0x4] =	wrdreg $0xC0  }
0xab: {  	_ =	task [dreg:s7], $0x5FFFF  }
0xac: {  	[dreg:$0x1] =	wrdreg $0xFFFFFFFF  }
0xad: {  	[dreg:$0x0] =	wrdreg $0x60  }
0xae: {  	[dreg:$0x2] =	wrdreg s2  }
0xaf: {  	[dreg:$0x3] =	wrdreg s24  }
0xb0: {  	[dreg:$0x4] =	wrdreg $0x68000  }
0xb1: {  	[dreg:$0x5] =	wrdreg $0x9  }
0xb2: {  	_ =	task.clear_ibuf [dreg:s7], $0x6FFFF;
	_ =	strace $0x90000046  }
0xb3: {  	s29 =	simm.s32 $0x9;
	_ =	strace $0x80000048  }
0xb4: {  	_ =	swait.ge [sflag:s29], $0x1  }
0xb5: {  	[sflag:s29] =	ssyncadd.s32 $0xFFFFFFFF  }
0xb6: {  	_ =	strace $0x90000048  }
0xb7: {  	_ =	sfence  }
0xb8: {  	s30 =	sld [smem:$0x0];
	_ =	sdelay $0x2  }
0xb9: {  	s31 =	sshll.u32 s1, $0xD;
	s1 =	sshrl.u32 s1, $0x2  }
0xba: {  	s3 =	sand.u32 $0x4000, s31;
	s1 =	sadd.s32 s1, s30  }
0xbb: {  	s0 =	sor.u32 s3, s0;
	s1 =	sshll.u32 s1, $0x11  }
0xbc: {  	s0 =	sor.u32 s1, s0  }
0xbd: {  	s0 =	sadd.s32 $0x8F2B, s0  }
0xbe: {  	[sflag:s0] =	ssyncadd.remote.s32 $0x1  }
0xbf: {  	_ =	sfence.sel $0xFFFF  }
0xc0: {  	[dreg:$0x0] =	wrdreg $0xFFFFFFFF;
	(pc) =	sbr.abs _section_cstart, $3  }
0xc1: {  	[dreg:$0x1] =	wrdreg $0xFFFFFFFF  }
0xc2: {  	_ =	task.clear_ibuf [dreg:s7], $0x2FFFF;
	_ =	strace $0x9FFFFFFF  }
0xc3: {  	(tm) =	ssettm $0x7FFFFFFF  }
tec
execute0_lowered:
.L_overlay_start_1:
0x0: {  	(tag) =	ssettag $0x1  }
0x1: {  	s4 =	rddreg [dreg:$0x0]  }
0x2: {  	s5 =	rddreg [dreg:$0x1]  }
0x3: {  	s2 =	rddreg [dreg:$0x2]  }
0x4: {  	s0 =	rddreg [dreg:$0x3]  }
0x5: {  	s1 =	stileid.u32;
	s6 =	srdreg.scid;
	s3 =	simm.s32 $0x0  }
0x6: {  	s12 =	simm.s32 $0x2800;
	s13 =	simm.s32 $0x1;
	s7 =	smul.u32 $0x14000, s1  }
0x7: {  	s6 =	sand.u32 $0x1, s6;
	[smem:$0x7FF] =	sst s3;
	s10 =	smul.u32 $0x50000, s1  }
0x8: {  	s31 =	sshll.u32 s1, $0x6;
	s8 =	smul.u32 $0x140000, s6;
	_ =	strace $0x80000047  }
0x9: {  	s29 =	sshll.u32 s6, $0x4;
	s6 =	ssub.s32 $0x2, s6;
	s9 =	sshrl.u32 s7, $0x3  }
0xa: {  	s11 =	sshrl.u32 s6, $0x1;
	s30 =	sshrl.u32 s10, $0x2;
	s9 =	sadd.s32 s9, s5  }
0xb: {  	s7 =	sadd.s32 s7, s8;
	s8 =	sor.u32 s1, s29;
	s11 =	ssub.s32 s6, s11  }
0xc: {  	s10 =	sadd.s32 s30, s2;
	s7 =	sshrl.u32 s7, $0x3;
	s8 =	smul.u32 $0x500, s8  }
0xd: {  	s10 =	sshrl.u32 s10, $0x3;
	s7 =	sadd.s32 s7, s5;
	s5 =	sadd.s32 $0x2A00, s9  }
0xe: {  	s9 =	sor.u32 $0x1C02, s31;
	s4 =	sadd.s32 s4, s8;
	s6 =	sadd.s32 $0x2AA00, s7  }
0xf: {  	v0 =	vimm.f32 $1.000000000e+00;
	s7 =	smax.u32 s11, $0x1;
	s8 =	simm.s32 $0x2;
	s11 =	simm.s32 $0x80  }
.LBB2_1:
0x10: {  	s14 =	simm.s32 $0x200;
	s15 =	simm.s32 $0x0  }
.LBB2_2:
0x11: {  	p0 =	sne.s32 s14, $0xFE00;
	[tilespmem:s15+$0x2800] =	vst v0;
	s15 =	smov.u32 s14;
	s14 =	sadd.s32 $0x200, s14  }
.Ltmp0:
0x12: {  	(pc) =	sbr.rel @p0 .LBB2_2-.Ltmp0, $2  }
0x13: {  	_ =	sdelay $0x2  }
0x14: {  	s15 =	sshra.s32 s15, $0x2  }
0x15: {  	[tilespmem:s15+$0x2800] =	vst v0;
	s14 =	simm.s32 $0x0  }
0x16: {  	[tilespmem:s14], [sflag:$0x2] =	stream.linear.gather [hbm4b:s4+s14], $0x2800, $0x38;
	[tilespmem:$0x9000] =	vst v63  }
0x17: {  	_ =	swait.ge [sflag:s8], $0x2800  }
0x18: {  	[sflag:s8] =	ssyncset.done $0x0  }
0x19: {  	[sflag:s8] =	ssyncadd.s32 $0xFFFFD800  }
0x1a: {  	[spmem:s10], [sflag:s9] =	dma.local [hbm:s5], $0x2800  }
0x1b: {  	_ =	swait.ge [sflag:s8], $0x2800  }
0x1c: {  	[sflag:s8] =	ssyncset.done $0x0  }
0x1d: {  	[sflag:s8] =	ssyncadd.s32 $0xFFFFD800  }
0x1e: {  	s23 =	simm.s32 $0x0;
	[bflag:$0x0] =	sbarrier.arrive $0xFFFF  }
0x1f: {  	[spmem:s2] =	stream.indirect.scatter.add.f32 [tilespmem:s12], [sflag:$0x1], $0x10, s23, s11, $0xb8;
	[tilespmem:$0x9000] =	vst v63  }
0x20: {  	s24 =	simm.s32 $0x80  }
0x21: {  	[spmem:s2] =	stream.indirect.scatter.add.f32 [tilespmem:s12], [sflag:$0x1], $0x10, s24, s11, $0xb8;
	[tilespmem:$0x9000] =	vst v63  }
0x22: {  	s25 =	simm.s32 $0x100  }
0x23: {  	[spmem:s2] =	stream.indirect.scatter.add.f32 [tilespmem:s12], [sflag:$0x1], $0x10, s25, s11, $0xb8;
	[tilespmem:$0x9000] =	vst v63  }
0x24: {  	s26 =	simm.s32 $0x180  }
0x25: {  	[spmem:s2] =	stream.indirect.scatter.add.f32 [tilespmem:s12], [sflag:$0x1], $0x10, s26, s11, $0xb8;
	[tilespmem:$0x9000] =	vst v63  }
0x26: {  	s28 =	simm.s32 $0x200  }
0x27: {  	[spmem:s2] =	stream.indirect.scatter.add.f32 [tilespmem:s12], [sflag:$0x1], $0x10, s28, s11, $0xb8;
	[tilespmem:$0x9000] =	vst v63  }
0x28: {  	s29 =	simm.s32 $0x280  }
0x29: {  	[spmem:s2] =	stream.indirect.scatter.add.f32 [tilespmem:s12], [sflag:$0x1], $0x10, s29, s11, $0xb8;
	[tilespmem:$0x9000] =	vst v63  }
0x2a: {  	s30 =	simm.s32 $0x300  }
0x2b: {  	[spmem:s2] =	stream.indirect.scatter.add.f32 [tilespmem:s12], [sflag:$0x1], $0x10, s30, s11, $0xb8;
	[tilespmem:$0x9000] =	vst v63  }
0x2c: {  	s31 =	simm.s32 $0x380  }
0x2d: {  	[spmem:s2] =	stream.indirect.scatter.add.f32 [tilespmem:s12], [sflag:$0x1], $0x10, s31, s11, $0xb8;
	[tilespmem:$0x9000] =	vst v63  }
0x2e: {  	_ =	swait.ge [sflag:s13], $0x800  }
0x2f: {  	[sflag:s13] =	ssyncset.done $0x0  }
0x30: {  	[sflag:s13] =	ssyncadd.s32 $0xFFFFF800  }
0x31: {  	_ =	swait.ge [sflag:s13], $0x800  }
0x32: {  	[sflag:s13] =	ssyncset.done $0x0  }
0x33: {  	[sflag:s13] =	ssyncadd.s32 $0xFFFFF800  }
0x34: {  	_ =	swait.ge [sflag:s13], $0x800  }
0x35: {  	[sflag:s13] =	ssyncset.done $0x0  }
0x36: {  	[sflag:s13] =	ssyncadd.s32 $0xFFFFF800  }
0x37: {  	_ =	swait.ge [sflag:s13], $0x800  }
0x38: {  	[sflag:s13] =	ssyncset.done $0x0  }
0x39: {  	[sflag:s13] =	ssyncadd.s32 $0xFFFFF800  }
0x3a: {  	_ =	swait.ge [sflag:s13], $0x800  }
0x3b: {  	[sflag:s13] =	ssyncset.done $0x0  }
0x3c: {  	[sflag:s13] =	ssyncadd.s32 $0xFFFFF800  }
0x3d: {  	_ =	swait.ge [sflag:s13], $0x800  }
0x3e: {  	[sflag:s13] =	ssyncset.done $0x0  }
0x3f: {  	[sflag:s13] =	ssyncadd.s32 $0xFFFFF800  }
0x40: {  	_ =	swait.ge [sflag:s13], $0x800  }
0x41: {  	[sflag:s13] =	ssyncset.done $0x0  }
0x42: {  	[sflag:s13] =	ssyncadd.s32 $0xFFFFF800  }
0x43: {  	_ =	swait.ge [sflag:s13], $0x800  }
0x44: {  	s16 =	simm.s32 $0x2000;
	s14 =	simm.s32 $0x1000;
	[sflag:s13] =	ssyncset.done $0x0  }
.LBB2_4:
0x45: {  	s17 =	sshra.s32 s14, $0x2  }
0x46: {  	[sflag:s13] =	ssyncadd.s32 $0xFFFFF800;
	s14 =	smov.u32 s16;
	s15 =	sadd.s32 $0x1000, s16  }
0x47: {  	[spmem:s2] =	stream.indirect.scatter.add.f32 [tilespmem:s12], [sflag:$0x1], $0x10, s17, s11, $0xb8;
	[tilespmem:$0x9000] =	vst v63  }
0x48: {  	p0 =	sne.s32 s16, $0x9000;
	s16 =	sadd.s32 $0x80, s17  }
0x49: {  	[spmem:s2] =	stream.indirect.scatter.add.f32 [tilespmem:s12], [sflag:$0x1], $0x10, s16, s11, $0xb8;
	[tilespmem:$0x9000] =	vst v63  }
0x4a: {  	s16 =	sadd.s32 $0x100, s17  }
0x4b: {  	[spmem:s2] =	stream.indirect.scatter.add.f32 [tilespmem:s12], [sflag:$0x1], $0x10, s16, s11, $0xb8;
	[tilespmem:$0x9000] =	vst v63  }
0x4c: {  	s16 =	sadd.s32 $0x180, s17  }
0x4d: {  	[spmem:s2] =	stream.indirect.scatter.add.f32 [tilespmem:s12], [sflag:$0x1], $0x10, s16, s11, $0xb8;
	[tilespmem:$0x9000] =	vst v63  }
0x4e: {  	s16 =	sadd.s32 $0x200, s17  }
0x4f: {  	[spmem:s2] =	stream.indirect.scatter.add.f32 [tilespmem:s12], [sflag:$0x1], $0x10, s16, s11, $0xb8;
	[tilespmem:$0x9000] =	vst v63  }
0x50: {  	s16 =	sadd.s32 $0x280, s17  }
0x51: {  	[spmem:s2] =	stream.indirect.scatter.add.f32 [tilespmem:s12], [sflag:$0x1], $0x10, s16, s11, $0xb8;
	[tilespmem:$0x9000] =	vst v63  }
0x52: {  	s16 =	sadd.s32 $0x300, s17  }
0x53: {  	[spmem:s2] =	stream.indirect.scatter.add.f32 [tilespmem:s12], [sflag:$0x1], $0x10, s16, s11, $0xb8;
	[tilespmem:$0x9000] =	vst v63  }
0x54: {  	s16 =	sadd.s32 $0x380, s17  }
0x55: {  	[spmem:s2] =	stream.indirect.scatter.add.f32 [tilespmem:s12], [sflag:$0x1], $0x10, s16, s11, $0xb8;
	[tilespmem:$0x9000] =	vst v63  }
0x56: {  	_ =	swait.ge [sflag:s13], $0x800  }
0x57: {  	[sflag:s13] =	ssyncset.done $0x0  }
0x58: {  	[sflag:s13] =	ssyncadd.s32 $0xFFFFF800  }
0x59: {  	_ =	swait.ge [sflag:s13], $0x800  }
0x5a: {  	[sflag:s13] =	ssyncset.done $0x0  }
0x5b: {  	[sflag:s13] =	ssyncadd.s32 $0xFFFFF800  }
0x5c: {  	_ =	swait.ge [sflag:s13], $0x800  }
0x5d: {  	[sflag:s13] =	ssyncset.done $0x0  }
0x5e: {  	[sflag:s13] =	ssyncadd.s32 $0xFFFFF800  }
0x5f: {  	_ =	swait.ge [sflag:s13], $0x800  }
0x60: {  	[sflag:s13] =	ssyncset.done $0x0  }
0x61: {  	[sflag:s13] =	ssyncadd.s32 $0xFFFFF800  }
0x62: {  	_ =	swait.ge [sflag:s13], $0x800  }
0x63: {  	[sflag:s13] =	ssyncset.done $0x0  }
0x64: {  	[sflag:s13] =	ssyncadd.s32 $0xFFFFF800  }
0x65: {  	_ =	swait.ge [sflag:s13], $0x800  }
0x66: {  	[sflag:s13] =	ssyncset.done $0x0  }
0x67: {  	[sflag:s13] =	ssyncadd.s32 $0xFFFFF800  }
.Ltmp1:
0x68: {  	_ =	swait.ge [sflag:s13], $0x800;
	(pc) =	sbr.rel @p0 .LBB2_4-.Ltmp1, $4  }
0x69: {  	[sflag:s13] =	ssyncset.done $0x0  }
0x6a: {  	[sflag:s13] =	ssyncadd.s32 $0xFFFFF800  }
0x6b: {  	_ =	swait.ge [sflag:s13], $0x800  }
0x6c: {  	s16 =	smov.u32 s15;
	[sflag:s13] =	ssyncset.done $0x0  }
0x6d: {  	s14 =	sshra.s32 s14, $0x2;
	[sflag:s13] =	ssyncadd.s32 $0xFFFFF800  }
0x6e: {  	[spmem:s2] =	stream.indirect.scatter.add.f32 [tilespmem:s12], [sflag:$0x1], $0x10, s14, s11, $0xb8;
	[tilespmem:$0x9000] =	vst v63  }
0x6f: {  	s15 =	sadd.s32 $0x80, s14  }
0x70: {  	[spmem:s2] =	stream.indirect.scatter.add.f32 [tilespmem:s12], [sflag:$0x1], $0x10, s15, s11, $0xb8;
	[tilespmem:$0x9000] =	vst v63  }
0x71: {  	s26 =	sadd.s32 $0x100, s14  }
0x72: {  	[spmem:s2] =	stream.indirect.scatter.add.f32 [tilespmem:s12], [sflag:$0x1], $0x10, s26, s11, $0xb8;
	[tilespmem:$0x9000] =	vst v63  }
0x73: {  	s28 =	sadd.s32 $0x180, s14  }
0x74: {  	[spmem:s2] =	stream.indirect.scatter.add.f32 [tilespmem:s12], [sflag:$0x1], $0x10, s28, s11, $0xb8;
	[tilespmem:$0x9000] =	vst v63  }
0x75: {  	s29 =	sadd.s32 $0x200, s14  }
0x76: {  	[spmem:s2] =	stream.indirect.scatter.add.f32 [tilespmem:s12], [sflag:$0x1], $0x10, s29, s11, $0xb8;
	[tilespmem:$0x9000] =	vst v63  }
0x77: {  	s30 =	sadd.s32 $0x280, s14  }
0x78: {  	[spmem:s2] =	stream.indirect.scatter.add.f32 [tilespmem:s12], [sflag:$0x1], $0x10, s30, s11, $0xb8;
	[tilespmem:$0x9000] =	vst v63  }
0x79: {  	s31 =	sadd.s32 $0x300, s14  }
0x7a: {  	[spmem:s2] =	stream.indirect.scatter.add.f32 [tilespmem:s12], [sflag:$0x1], $0x10, s31, s11, $0xb8;
	[tilespmem:$0x9000] =	vst v63  }
0x7b: {  	s14 =	sadd.s32 $0x380, s14  }
0x7c: {  	[spmem:s2] =	stream.indirect.scatter.add.f32 [tilespmem:s12], [sflag:$0x1], $0x10, s14, s11, $0xb8;
	[tilespmem:$0x9000] =	vst v63  }
0x7d: {  	_ =	swait.ge [sflag:s13], $0x800  }
0x7e: {  	[sflag:s13] =	ssyncset.done $0x0  }
0x7f: {  	[sflag:s13] =	ssyncadd.s32 $0xFFFFF800  }
0x80: {  	_ =	swait.ge [sflag:s13], $0x800  }
0x81: {  	[sflag:s13] =	ssyncset.done $0x0  }
0x82: {  	[sflag:s13] =	ssyncadd.s32 $0xFFFFF800  }
0x83: {  	_ =	swait.ge [sflag:s13], $0x800  }
0x84: {  	[sflag:s13] =	ssyncset.done $0x0  }
0x85: {  	[sflag:s13] =	ssyncadd.s32 $0xFFFFF800  }
0x86: {  	_ =	swait.ge [sflag:s13], $0x800  }
0x87: {  	[sflag:s13] =	ssyncset.done $0x0  }
0x88: {  	[sflag:s13] =	ssyncadd.s32 $0xFFFFF800  }
0x89: {  	_ =	swait.ge [sflag:s13], $0x800  }
0x8a: {  	[sflag:s13] =	ssyncset.done $0x0  }
0x8b: {  	[sflag:s13] =	ssyncadd.s32 $0xFFFFF800  }
0x8c: {  	_ =	swait.ge [sflag:s13], $0x800  }
0x8d: {  	[sflag:s13] =	ssyncset.done $0x0  }
0x8e: {  	[sflag:s13] =	ssyncadd.s32 $0xFFFFF800  }
0x8f: {  	_ =	swait.ge [sflag:s13], $0x800  }
0x90: {  	[sflag:s13] =	ssyncset.done $0x0  }
0x91: {  	[sflag:s13] =	ssyncadd.s32 $0xFFFFF800  }
0x92: {  	_ =	swait.ge [sflag:s13], $0x800  }
0x93: {  	s3 =	sadd.s32 $0x1, s3;
	[sflag:s13] =	ssyncset.done $0x0  }
0x94: {  	p0 =	sne.s32 s3, s7;
	[sflag:s13] =	ssyncadd.s32 $0xFFFFF800  }
.Ltmp2:
0x95: {  	[bflag:$0x0] =	sbarrier.arrive $0xFFFF;
	(pc) =	sbr.rel @p0 .LBB2_1-.Ltmp2, $4  }
0x96: {  	[hbm:s6], [sflag:s9] =	dma.local [spmem:s10], $0x2800  }
0x97: {  	_ =	swait.ge [sflag:s8], $0x2800  }
0x98: {  	[sflag:s8] =	ssyncset.done $0x0  }
0x99: {  	[sflag:s8] =	ssyncadd.s32 $0xFFFFD800  }
0x9a: {  	_ =	sfence.sel $0x180000  }
0x9b: {  	[bflag:$0x0] =	sbarrier.arrive $0xFFFF  }
0x9c: {  	p0 =	sne.s32 s1, $0x0;
	_ =	strace $0x90000047  }
0x9d: {  	s0 =	sadd.s32 @!p0 $0x100000, s0;
	[bflag:$0x2] =	sbarrier.arrive $0xFFFF  }
0x9e: {  	[sflag:s0] =	ssyncadd.tile.s32 @!p0 $0x1;
	_ =	shalt  }
.Lfunc_end2:
_tile_overlayer_lowered:
.L_overlay_start_2:
0x9f: {  	(tag) =	ssettag $0x2  }
0xa0: {  	s0 =	rddreg [dreg:$0x0];
	s2 =	stileid.u32  }
0xa1: {  	s1 =	rddreg [dreg:$0x1];
	p0 =	sne.s32 s2, $0x0  }
0xa2: {  	s3 =	rddreg [dreg:$0x2];
	[bflag:$0x3] =	sbarrier.arrive $0xFFFF;
	s2 =	simm.s32 @!p0 $0x1C02  }
0xa3: {  	[timem:s3], [sflag:s2] =	dma.local @!p0 [hbm:s0], s1  }
0xa4: {  	s0 =	simm.s32 @!p0 $0x2  }
0xa5: {  	_ =	swait.ge @!p0 [sflag:s0], s1  }
0xa6: {  	s1 =	ssub.s32 @!p0 $0x0, s1;
	[sflag:s0] =	ssyncset.done @!p0 $0x0  }
0xa7: {  	[sflag:s0] =	ssyncadd.s32 @!p0 s1  }
0xa8: {  	[bflag:$0x3] =	sbarrier.arrive $0xFFFF  }
0xa9: {  	_ =	shalt  }

</sc_bundles>
